<compile_context>
chip_gen: v7x
topology: tpu7x:2x2x1
jax: 0.10.2.dev20260603
libtpu: 0.0.44.dev20260713+nightly
codegen_flags: <defaults>
</compile_context>

<pallas_src>
import functools

import jax
import jax.numpy as jnp
from jax import lax
from jax.experimental import pallas as pl
from jax.experimental.pallas import tpu as pltpu
from jax.experimental.pallas import tpu_sc as plsc

F = 26
V = 100000
E = 16
B = 16384
BCL = 8192
GRID = (V + BCL - 1) // BCL
SLEN = GRID * BCL

_NC, _NS = 2, 16
_NW = _NC * _NS
_BPW = B // _NW


def _collapse_body(w1ref, w2ref, w3ref, bref, b1ref, b2ref, b3ref,
                   wpat_ref, wlin_ref, c0_ref):
    we = jnp.dot(w2ref[...], w3ref[...], preferred_element_type=jnp.float32)
    weff = jnp.dot(w1ref[...], we, preferred_element_type=jnp.float32)
    c0_ref[...] = (bref[...] * weff[442:443, :]
                   + jnp.dot(b1ref[...], we,
                             preferred_element_type=jnp.float32)
                   + jnp.dot(b2ref[...], w3ref[...],
                             preferred_element_type=jnp.float32)
                   + b3ref[...])
    wlin_ref[...] = weff[0:F, :]
    wpat_ref[...] = jnp.concatenate(
        [weff[F + E * f:F + E * (f + 1), :] for f in range(F)], axis=1)


def _collapse(W1, W2, W3, b2d, b1r, b2r, b3r):
    return pl.pallas_call(
        _collapse_body,
        out_shape=(jax.ShapeDtypeStruct((E, F), jnp.float32),
                   jax.ShapeDtypeStruct((F, 1), jnp.float32),
                   jax.ShapeDtypeStruct((1, 1), jnp.float32)),
    )(W1, W2, W3, b2d, b1r, b2r, b3r)


def _table_body(vref, wref, wpat_ref, wlin_ref, c0_ref, oref):
    wpat = wpat_ref[...]
    wlin = wlin_ref[...]
    acc = vref[0] * wpat[:, 0:1]
    accw = wref[0] * wlin[0:1, 0:1]
    for f in range(1, F):
        acc = acc + vref[f] * wpat[:, f:f + 1]
        accw = accw + wref[f] * wlin[f:f + 1, 0:1]
    t = jnp.sum(acc, axis=0, keepdims=True) + accw + c0_ref[...]
    oref[...] = jax.nn.sigmoid(t).reshape(BCL)


def _build_table(vT, wT, wpat, wlin, c0):
    return pl.pallas_call(
        _table_body,
        grid=(GRID,),
        in_specs=[
            pl.BlockSpec((F, E, BCL), lambda i: (0, 0, i)),
            pl.BlockSpec((F, 1, BCL), lambda i: (0, 0, i)),
            pl.BlockSpec((E, F), lambda i: (0, 0)),
            pl.BlockSpec((F, 1), lambda i: (0, 0)),
            pl.BlockSpec((1, 1), lambda i: (0, 0)),
        ],
        out_specs=pl.BlockSpec((BCL,), lambda i: (i,)),
        out_shape=jax.ShapeDtypeStruct((SLEN,), jnp.float32),
    )(vT, wT, wpat, wlin, c0)


def _gather_body(s_hbm, idx_hbm, out_hbm, idx_v, rows_v, sem):
    wid = lax.axis_index("s") * _NC + lax.axis_index("c")
    base = wid * _BPW
    pltpu.sync_copy(idx_hbm.at[pl.ds(base, _BPW)], idx_v)
    pltpu.async_copy(s_hbm.at[idx_v], rows_v, sem).wait()
    pltpu.sync_copy(rows_v, out_hbm.at[pl.ds(base, _BPW)])


def _gather(s2, idx):
    mesh = plsc.VectorSubcoreMesh(core_axis_name="c", subcore_axis_name="s")
    run = functools.partial(
        pl.kernel,
        mesh=mesh,
        out_type=jax.ShapeDtypeStruct((B,), jnp.float32),
        scratch_types=[
            pltpu.VMEM((_BPW,), jnp.int32),
            pltpu.VMEM((_BPW,), jnp.float32),
            pltpu.SemaphoreType.DMA,
        ],
    )(_gather_body)
    return run(s2, idx)


def kernel(inputs, w_tables, v_tables, b, W1, b1, W2, b2, W3, b3):
    wpat, wlin, c0 = _collapse(W1, W2, W3, b.reshape(1, 1),
                               b1.reshape(1, 256), b2.reshape(1, 128),
                               b3.reshape(1, 1))
    vT = jnp.transpose(v_tables, (0, 2, 1))
    wT = jnp.transpose(w_tables, (0, 2, 1))
    s = _build_table(vT, wT, wpat, wlin, c0)
    return _gather(s, inputs).reshape(B, 1)

# --- scband reference (transcript-rebuilt; emitter-appended) ---
"""Pipeline reference for scband-fnn-30966714204206 (READ-ONLY COPY).

The authoritative reference and input builder live on the scoring server;
editing this copy changes nothing except your own understanding.
"""

import jax, jax.numpy as jnp
import numpy as np

NUM_FIELDS = 26
VOCAB = 100000
EMBED_DIM = 16
BATCH = 16384
HIDDEN = [256, 128, 1]
D_IN = NUM_FIELDS + NUM_FIELDS * EMBED_DIM + 1  # ws + flattened vs + bias column = 443


def setup_inputs(seed: int = 0) -> dict:
    key = jax.random.key(seed)
    ks = jax.random.split(key, 12)
    inputs = jax.random.randint(ks[0], (BATCH,), 0, VOCAB, dtype=jnp.int32)
    # Pretrained (frozen) FM parameters: per-field linear weights w[i] (Embedding(V,1))
    # and per-field latent vectors v[i] (Embedding(V,EMBED_DIM)), plus global bias b.
    w_tables = jax.random.normal(ks[1], (NUM_FIELDS, VOCAB, 1), dtype=jnp.float32) * 0.05
    v_tables = jax.random.normal(ks[2], (NUM_FIELDS, VOCAB, EMBED_DIM), dtype=jnp.float32) * 0.05
    b = jax.random.normal(ks[3], (), dtype=jnp.float32) * 0.05
    # Dense head weights
    W1 = jax.random.normal(ks[4], (D_IN, HIDDEN[0]), dtype=jnp.float32) * (1.0 / np.sqrt(D_IN))
    b1 = jnp.zeros((HIDDEN[0],), dtype=jnp.float32)
    W2 = jax.random.normal(ks[5], (HIDDEN[0], HIDDEN[1]), dtype=jnp.float32) * (1.0 / np.sqrt(HIDDEN[0]))
    b2 = jnp.zeros((HIDDEN[1],), dtype=jnp.float32)
    W3 = jax.random.normal(ks[6], (HIDDEN[1], HIDDEN[2]), dtype=jnp.float32) * (1.0 / np.sqrt(HIDDEN[1]))
    b3 = jnp.zeros((HIDDEN[2],), dtype=jnp.float32)
    return {"inputs": inputs, "w_tables": w_tables, "v_tables": v_tables, "b": b,
            "W1": W1, "b1": b1, "W2": W2, "b2": b2, "W3": W3, "b3": b3}


def reference(inputs, w_tables, v_tables, b, W1, b1, W2, b2, W3, b3):
    B = inputs.shape[0]
    # ws = [fm.w[i](inputs) for i in range(num_fields)] -> stacked [F, B, 1]
    ws = jnp.take(w_tables, inputs, axis=1)              # [F, B, 1]
    ws = jnp.transpose(ws, (1, 0, 2))                    # [B, F, 1]
    ws = jnp.squeeze(ws, axis=-1)                        # [B, F] (tf.squeeze)
    # vs = [fm.v[i](inputs) for i in range(num_fields)] -> stacked [F, B, k]
    vs = jnp.take(v_tables, inputs, axis=1)              # [F, B, k]
    vs = jnp.transpose(vs, (1, 0, 2))                    # [B, F, k]
    vs = vs.reshape(B, -1)                               # Flatten -> [B, F*k]
    bias_col = jnp.zeros((B, 1), dtype=jnp.float32) + b  # [B, 1]
    x = jnp.concatenate([ws, vs, bias_col], axis=1)      # [B, F + F*k + 1]
    x = x @ W1 + b1
    x = x @ W2 + b2
    x = x @ W3 + b3
    return jax.nn.sigmoid(x)

if __name__ == "__main__":
    import jax
    _d = setup_inputs()
    print(jax.jit(kernel)(*tuple(_d.values())))

</pallas_src>

<mosaic_0001>
#map = affine_map<(d0, d1) -> (0)>
module attributes {stable_mosaic.version = 14 : i64} {
  func.func @_gather_body(%arg0: i32, %arg1: i32, %arg2: memref<106496xf32, #tpu.memory_space<hbm>>, %arg3: memref<16384xi32, #tpu.memory_space<hbm>>, %arg4: memref<16384xf32, #tpu.memory_space<hbm>>, %arg5: memref<512xi32, #tpu.memory_space<vmem>>, %arg6: memref<512xf32, #tpu.memory_space<vmem>>, %arg7: memref<!tpu.dma_semaphore, #tpu.memory_space<semaphore_mem>>) attributes {dimension_semantics = [#tpu.dimension_semantics<core_parallel>, #tpu.dimension_semantics<subcore_parallel>], iteration_bounds = array<i64: 2, 16>, scalar_prefetch = 0 : i64, scratch_operands = 3 : i64, tpu.core_type = #tpu.core_type<sc_vector_subcore>, window_params = [{transform_indices = #map}, {transform_indices = #map}, {transform_indices = #map}]} {
    %mul3A = arith.constant 2 : i32
    %mul3A_0 = arith.muli %arg1, %mul3A : i32
    %add3A = arith.addi %mul3A_0, %arg0 : i32
    %mul3A_1 = arith.constant 512 : i32
    %mul3A_2 = arith.muli %add3A, %mul3A_1 : i32
    "tpu.region"() ({
      %run_scoped3A = tpu.sem_alloc : memref<!tpu.dma_semaphore, #tpu.memory_space<semaphore_mem>>
      %dma_start3A_5 = tpu.memref_slice %arg3[%mul3A_2] : memref<16384xi32, #tpu.memory_space<hbm>> -> memref<512xi32, #tpu.memory_space<hbm>>
      %dma_start3A_6 = tpu.memref_slice %arg3[%mul3A_2] : memref<16384xi32, #tpu.memory_space<hbm>> -> memref<512xi32, #tpu.memory_space<hbm>>
      tpu.enqueue_dma source(%dma_start3A_6 : memref<512xi32, #tpu.memory_space<hbm>>) target(%arg5 : memref<512xi32, #tpu.memory_space<vmem>>) target_semaphore(%run_scoped3A : memref<!tpu.dma_semaphore, #tpu.memory_space<semaphore_mem>>)
      %dma_wait3A_7 = tpu.memref_slice %arg3[%mul3A_2] : memref<16384xi32, #tpu.memory_space<hbm>> -> memref<512xi32, #tpu.memory_space<hbm>>
      %dma_wait3A_8 = tpu.memref_slice %arg3[%mul3A_2] : memref<16384xi32, #tpu.memory_space<hbm>> -> memref<512xi32, #tpu.memory_space<hbm>>
      tpu.wait_dma2 semaphore(%run_scoped3A : memref<!tpu.dma_semaphore, #tpu.memory_space<semaphore_mem>>) src(%dma_wait3A_8 : memref<512xi32, #tpu.memory_space<hbm>>) dst(%arg5 : memref<512xi32, #tpu.memory_space<vmem>>)
      tpu.yield
    }) : () -> ()
    %dma_start3A = arith.constant 0 : i32
    %dma_start3A_3 = tpu.memref_slice %arg2[%dma_start3A] : memref<106496xf32, #tpu.memory_space<hbm>> -> memref<106496xf32, #tpu.memory_space<hbm>>
    tpu.enqueue_indirect_dma source(%dma_start3A_3 : memref<106496xf32, #tpu.memory_space<hbm>>) target(%arg6 : memref<512xf32, #tpu.memory_space<vmem>>) offsets(%arg5 : memref<512xi32, #tpu.memory_space<vmem>>) semaphore(%arg7 : memref<!tpu.dma_semaphore, #tpu.memory_space<semaphore_mem>>)
    %dma_wait3A = arith.constant 0 : i32
    %dma_wait3A_4 = tpu.memref_slice %arg2[%dma_wait3A] : memref<106496xf32, #tpu.memory_space<hbm>> -> memref<106496xf32, #tpu.memory_space<hbm>>
    tpu.wait_indirect_dma semaphore(%arg7 : memref<!tpu.dma_semaphore, #tpu.memory_space<semaphore_mem>>) src(%dma_wait3A_4 : memref<106496xf32, #tpu.memory_space<hbm>>) dst(%arg6 : memref<512xf32, #tpu.memory_space<vmem>>)
    "tpu.region"() ({
      %run_scoped3A = tpu.sem_alloc : memref<!tpu.dma_semaphore, #tpu.memory_space<semaphore_mem>>
      %dma_start3A_5 = tpu.memref_slice %arg4[%mul3A_2] : memref<16384xf32, #tpu.memory_space<hbm>> -> memref<512xf32, #tpu.memory_space<hbm>>
      %dma_start3A_6 = tpu.memref_slice %arg4[%mul3A_2] : memref<16384xf32, #tpu.memory_space<hbm>> -> memref<512xf32, #tpu.memory_space<hbm>>
      tpu.enqueue_dma source(%arg6 : memref<512xf32, #tpu.memory_space<vmem>>) target(%dma_start3A_6 : memref<512xf32, #tpu.memory_space<hbm>>) target_semaphore(%run_scoped3A : memref<!tpu.dma_semaphore, #tpu.memory_space<semaphore_mem>>)
      %dma_wait3A_7 = tpu.memref_slice %arg4[%mul3A_2] : memref<16384xf32, #tpu.memory_space<hbm>> -> memref<512xf32, #tpu.memory_space<hbm>>
      %dma_wait3A_8 = tpu.memref_slice %arg4[%mul3A_2] : memref<16384xf32, #tpu.memory_space<hbm>> -> memref<512xf32, #tpu.memory_space<hbm>>
      tpu.wait_dma2 semaphore(%run_scoped3A : memref<!tpu.dma_semaphore, #tpu.memory_space<semaphore_mem>>) src(%arg6 : memref<512xf32, #tpu.memory_space<vmem>>) dst(%dma_wait3A_8 : memref<512xf32, #tpu.memory_space<hbm>>)
      tpu.yield
    }) : () -> ()
    return
  }
}

module attributes {stable_mosaic.version = 14 : i64} {
  func.func @_table_body(%arg0: i32, %arg1: memref<26x16x8192xf32, #tpu.memory_space<vmem>>, %arg2: memref<26x1x8192xf32, #tpu.memory_space<vmem>>, %arg3: memref<16x26xf32, #tpu.memory_space<vmem>>, %arg4: memref<26x1xf32, #tpu.memory_space<vmem>>, %arg5: memref<1x1xf32, #tpu.memory_space<vmem>>, %arg6: memref<8192xf32, #tpu.memory_space<vmem>>) attributes {dimension_semantics = [#tpu.dimension_semantics<arbitrary>], iteration_bounds = array<i64: 13>, scalar_prefetch = 0 : i64, scratch_operands = 0 : i64, tpu.core_type = #tpu.core_type<tc>, window_params = [{transform_indices = @transform_0, window_bounds = array<i64: 26, 16, 8192>}, {transform_indices = @transform_1, window_bounds = array<i64: 26, 1, 8192>}, {pipeline_mode = #tpu.pipeline_mode<synchronous>, transform_indices = @transform_2, window_bounds = array<i64: 16, 26>}, {pipeline_mode = #tpu.pipeline_mode<synchronous>, transform_indices = @transform_3, window_bounds = array<i64: 26, 1>}, {pipeline_mode = #tpu.pipeline_mode<synchronous>, transform_indices = @transform_4, window_bounds = array<i64: 1, 1>}, {transform_indices = @transform_5, window_bounds = array<i64: 8192>}]} {
    %get3A = arith.constant 0 : index
    %get3A_0 = arith.constant 0 : index
    %get3A_1 = vector.load %arg3[%get3A, %get3A_0] : memref<16x26xf32, #tpu.memory_space<vmem>>, vector<16x26xf32>
    %get3A_2 = arith.constant 0 : index
    %get3A_3 = arith.constant 0 : index
    %get3A_4 = vector.load %arg4[%get3A_2, %get3A_3] : memref<26x1xf32, #tpu.memory_space<vmem>>, vector<26x1xf32>
    %get3A_5 = arith.constant 0 : index
    %get3A_6 = arith.constant 0 : index
    %get3A_7 = arith.constant 0 : index
    %get3A_8 = vector.load %arg1[%get3A_5, %get3A_6, %get3A_7] : memref<26x16x8192xf32, #tpu.memory_space<vmem>>, vector<1x16x8192xf32>
    %get3A_9 = vector.shape_cast %get3A_8 : vector<1x16x8192xf32> to vector<16x8192xf32>
    %slice3A = vector.extract_strided_slice %get3A_1 {offsets = [0, 0], sizes = [16, 1], strides = [1, 1]} : vector<16x26xf32> to vector<16x1xf32>
    %mul3A = vector.broadcast %slice3A : vector<16x1xf32> to vector<16x8192xf32>
    %mul3A_10 = arith.mulf %get3A_9, %mul3A : vector<16x8192xf32>
    %get3A_11 = arith.constant 0 : index
    %get3A_12 = arith.constant 0 : index
    %get3A_13 = arith.constant 0 : index
    %get3A_14 = vector.load %arg2[%get3A_11, %get3A_12, %get3A_13] : memref<26x1x8192xf32, #tpu.memory_space<vmem>>, vector<1x1x8192xf32>
    %get3A_15 = vector.shape_cast %get3A_14 : vector<1x1x8192xf32> to vector<1x8192xf32>
    %slice3A_16 = vector.extract_strided_slice %get3A_4 {offsets = [0, 0], sizes = [1, 1], strides = [1, 1]} : vector<26x1xf32> to vector<1x1xf32>
    %mul3A_17 = vector.broadcast %slice3A_16 : vector<1x1xf32> to vector<1x8192xf32>
    %mul3A_18 = arith.mulf %get3A_15, %mul3A_17 : vector<1x8192xf32>
    %get3A_19 = arith.constant 1 : index
    %get3A_20 = arith.constant 0 : index
    %get3A_21 = arith.constant 0 : index
    %get3A_22 = vector.load %arg1[%get3A_19, %get3A_20, %get3A_21] : memref<26x16x8192xf32, #tpu.memory_space<vmem>>, vector<1x16x8192xf32>
    %get3A_23 = vector.shape_cast %get3A_22 : vector<1x16x8192xf32> to vector<16x8192xf32>
    %slice3A_24 = vector.extract_strided_slice %get3A_1 {offsets = [0, 1], sizes = [16, 1], strides = [1, 1]} : vector<16x26xf32> to vector<16x1xf32>
    %mul3A_25 = vector.broadcast %slice3A_24 : vector<16x1xf32> to vector<16x8192xf32>
    %mul3A_26 = arith.mulf %get3A_23, %mul3A_25 : vector<16x8192xf32>
    %add3A = arith.addf %mul3A_10, %mul3A_26 : vector<16x8192xf32>
    %get3A_27 = arith.constant 1 : index
    %get3A_28 = arith.constant 0 : index
    %get3A_29 = arith.constant 0 : index
    %get3A_30 = vector.load %arg2[%get3A_27, %get3A_28, %get3A_29] : memref<26x1x8192xf32, #tpu.memory_space<vmem>>, vector<1x1x8192xf32>
    %get3A_31 = vector.shape_cast %get3A_30 : vector<1x1x8192xf32> to vector<1x8192xf32>
    %slice3A_32 = vector.extract_strided_slice %get3A_4 {offsets = [1, 0], sizes = [1, 1], strides = [1, 1]} : vector<26x1xf32> to vector<1x1xf32>
    %mul3A_33 = vector.broadcast %slice3A_32 : vector<1x1xf32> to vector<1x8192xf32>
    %mul3A_34 = arith.mulf %get3A_31, %mul3A_33 : vector<1x8192xf32>
    %add3A_35 = arith.addf %mul3A_18, %mul3A_34 : vector<1x8192xf32>
    %get3A_36 = arith.constant 2 : index
    %get3A_37 = arith.constant 0 : index
    %get3A_38 = arith.constant 0 : index
    %get3A_39 = vector.load %arg1[%get3A_36, %get3A_37, %get3A_38] : memref<26x16x8192xf32, #tpu.memory_space<vmem>>, vector<1x16x8192xf32>
    %get3A_40 = vector.shape_cast %get3A_39 : vector<1x16x8192xf32> to vector<16x8192xf32>
    %slice3A_41 = vector.extract_strided_slice %get3A_1 {offsets = [0, 2], sizes = [16, 1], strides = [1, 1]} : vector<16x26xf32> to vector<16x1xf32>
    %mul3A_42 = vector.broadcast %slice3A_41 : vector<16x1xf32> to vector<16x8192xf32>
    %mul3A_43 = arith.mulf %get3A_40, %mul3A_42 : vector<16x8192xf32>
    %add3A_44 = arith.addf %add3A, %mul3A_43 : vector<16x8192xf32>
    %get3A_45 = arith.constant 2 : index
    %get3A_46 = arith.constant 0 : index
    %get3A_47 = arith.constant 0 : index
    %get3A_48 = vector.load %arg2[%get3A_45, %get3A_46, %get3A_47] : memref<26x1x8192xf32, #tpu.memory_space<vmem>>, vector<1x1x8192xf32>
    %get3A_49 = vector.shape_cast %get3A_48 : vector<1x1x8192xf32> to vector<1x8192xf32>
    %slice3A_50 = vector.extract_strided_slice %get3A_4 {offsets = [2, 0], sizes = [1, 1], strides = [1, 1]} : vector<26x1xf32> to vector<1x1xf32>
    %mul3A_51 = vector.broadcast %slice3A_50 : vector<1x1xf32> to vector<1x8192xf32>
    %mul3A_52 = arith.mulf %get3A_49, %mul3A_51 : vector<1x8192xf32>
    %add3A_53 = arith.addf %add3A_35, %mul3A_52 : vector<1x8192xf32>
    %get3A_54 = arith.constant 3 : index
    %get3A_55 = arith.constant 0 : index
    %get3A_56 = arith.constant 0 : index
    %get3A_57 = vector.load %arg1[%get3A_54, %get3A_55, %get3A_56] : memref<26x16x8192xf32, #tpu.memory_space<vmem>>, vector<1x16x8192xf32>
    %get3A_58 = vector.shape_cast %get3A_57 : vector<1x16x8192xf32> to vector<16x8192xf32>
    %slice3A_59 = vector.extract_strided_slice %get3A_1 {offsets = [0, 3], sizes = [16, 1], strides = [1, 1]} : vector<16x26xf32> to vector<16x1xf32>
    %mul3A_60 = vector.broadcast %slice3A_59 : vector<16x1xf32> to vector<16x8192xf32>
    %mul3A_61 = arith.mulf %get3A_58, %mul3A_60 : vector<16x8192xf32>
    %add3A_62 = arith.addf %add3A_44, %mul3A_61 : vector<16x8192xf32>
    %get3A_63 = arith.constant 3 : index
    %get3A_64 = arith.constant 0 : index
    %get3A_65 = arith.constant 0 : index
    %get3A_66 = vector.load %arg2[%get3A_63, %get3A_64, %get3A_65] : memref<26x1x8192xf32, #tpu.memory_space<vmem>>, vector<1x1x8192xf32>
    %get3A_67 = vector.shape_cast %get3A_66 : vector<1x1x8192xf32> to vector<1x8192xf32>
    %slice3A_68 = vector.extract_strided_slice %get3A_4 {offsets = [3, 0], sizes = [1, 1], strides = [1, 1]} : vector<26x1xf32> to vector<1x1xf32>
    %mul3A_69 = vector.broadcast %slice3A_68 : vector<1x1xf32> to vector<1x8192xf32>
    %mul3A_70 = arith.mulf %get3A_67, %mul3A_69 : vector<1x8192xf32>
    %add3A_71 = arith.addf %add3A_53, %mul3A_70 : vector<1x8192xf32>
    %get3A_72 = arith.constant 4 : index
    %get3A_73 = arith.constant 0 : index
    %get3A_74 = arith.constant 0 : index
    %get3A_75 = vector.load %arg1[%get3A_72, %get3A_73, %get3A_74] : memref<26x16x8192xf32, #tpu.memory_space<vmem>>, vector<1x16x8192xf32>
    %get3A_76 = vector.shape_cast %get3A_75 : vector<1x16x8192xf32> to vector<16x8192xf32>
    %slice3A_77 = vector.extract_strided_slice %get3A_1 {offsets = [0, 4], sizes = [16, 1], strides = [1, 1]} : vector<16x26xf32> to vector<16x1xf32>
    %mul3A_78 = vector.broadcast %slice3A_77 : vector<16x1xf32> to vector<16x8192xf32>
    %mul3A_79 = arith.mulf %get3A_76, %mul3A_78 : vector<16x8192xf32>
    %add3A_80 = arith.addf %add3A_62, %mul3A_79 : vector<16x8192xf32>
    %get3A_81 = arith.constant 4 : index
    %get3A_82 = arith.constant 0 : index
    %get3A_83 = arith.constant 0 : index
    %get3A_84 = vector.load %arg2[%get3A_81, %get3A_82, %get3A_83] : memref<26x1x8192xf32, #tpu.memory_space<vmem>>, vector<1x1x8192xf32>
    %get3A_85 = vector.shape_cast %get3A_84 : vector<1x1x8192xf32> to vector<1x8192xf32>
    %slice3A_86 = vector.extract_strided_slice %get3A_4 {offsets = [4, 0], sizes = [1, 1], strides = [1, 1]} : vector<26x1xf32> to vector<1x1xf32>
    %mul3A_87 = vector.broadcast %slice3A_86 : vector<1x1xf32> to vector<1x8192xf32>
    %mul3A_88 = arith.mulf %get3A_85, %mul3A_87 : vector<1x8192xf32>
    %add3A_89 = arith.addf %add3A_71, %mul3A_88 : vector<1x8192xf32>
    %get3A_90 = arith.constant 5 : index
    %get3A_91 = arith.constant 0 : index
    %get3A_92 = arith.constant 0 : index
    %get3A_93 = vector.load %arg1[%get3A_90, %get3A_91, %get3A_92] : memref<26x16x8192xf32, #tpu.memory_space<vmem>>, vector<1x16x8192xf32>
    %get3A_94 = vector.shape_cast %get3A_93 : vector<1x16x8192xf32> to vector<16x8192xf32>
    %slice3A_95 = vector.extract_strided_slice %get3A_1 {offsets = [0, 5], sizes = [16, 1], strides = [1, 1]} : vector<16x26xf32> to vector<16x1xf32>
    %mul3A_96 = vector.broadcast %slice3A_95 : vector<16x1xf32> to vector<16x8192xf32>
    %mul3A_97 = arith.mulf %get3A_94, %mul3A_96 : vector<16x8192xf32>
    %add3A_98 = arith.addf %add3A_80, %mul3A_97 : vector<16x8192xf32>
    %get3A_99 = arith.constant 5 : index
    %get3A_100 = arith.constant 0 : index
    %get3A_101 = arith.constant 0 : index
    %get3A_102 = vector.load %arg2[%get3A_99, %get3A_100, %get3A_101] : memref<26x1x8192xf32, #tpu.memory_space<vmem>>, vector<1x1x8192xf32>
    %get3A_103 = vector.shape_cast %get3A_102 : vector<1x1x8192xf32> to vector<1x8192xf32>
    %slice3A_104 = vector.extract_strided_slice %get3A_4 {offsets = [5, 0], sizes = [1, 1], strides = [1, 1]} : vector<26x1xf32> to vector<1x1xf32>
    %mul3A_105 = vector.broadcast %slice3A_104 : vector<1x1xf32> to vector<1x8192xf32>
    %mul3A_106 = arith.mulf %get3A_103, %mul3A_105 : vector<1x8192xf32>
    %add3A_107 = arith.addf %add3A_89, %mul3A_106 : vector<1x8192xf32>
    %get3A_108 = arith.constant 6 : index
    %get3A_109 = arith.constant 0 : index
    %get3A_110 = arith.constant 0 : index
    %get3A_111 = vector.load %arg1[%get3A_108, %get3A_109, %get3A_110] : memref<26x16x8192xf32, #tpu.memory_space<vmem>>, vector<1x16x8192xf32>
    %get3A_112 = vector.shape_cast %get3A_111 : vector<1x16x8192xf32> to vector<16x8192xf32>
    %slice3A_113 = vector.extract_strided_slice %get3A_1 {offsets = [0, 6], sizes = [16, 1], strides = [1, 1]} : vector<16x26xf32> to vector<16x1xf32>
    %mul3A_114 = vector.broadcast %slice3A_113 : vector<16x1xf32> to vector<16x8192xf32>
    %mul3A_115 = arith.mulf %get3A_112, %mul3A_114 : vector<16x8192xf32>
    %add3A_116 = arith.addf %add3A_98, %mul3A_115 : vector<16x8192xf32>
    %get3A_117 = arith.constant 6 : index
    %get3A_118 = arith.constant 0 : index
    %get3A_119 = arith.constant 0 : index
    %get3A_120 = vector.load %arg2[%get3A_117, %get3A_118, %get3A_119] : memref<26x1x8192xf32, #tpu.memory_space<vmem>>, vector<1x1x8192xf32>
    %get3A_121 = vector.shape_cast %get3A_120 : vector<1x1x8192xf32> to vector<1x8192xf32>
    %slice3A_122 = vector.extract_strided_slice %get3A_4 {offsets = [6, 0], sizes = [1, 1], strides = [1, 1]} : vector<26x1xf32> to vector<1x1xf32>
    %mul3A_123 = vector.broadcast %slice3A_122 : vector<1x1xf32> to vector<1x8192xf32>
    %mul3A_124 = arith.mulf %get3A_121, %mul3A_123 : vector<1x8192xf32>
    %add3A_125 = arith.addf %add3A_107, %mul3A_124 : vector<1x8192xf32>
    %get3A_126 = arith.constant 7 : index
    %get3A_127 = arith.constant 0 : index
    %get3A_128 = arith.constant 0 : index
    %get3A_129 = vector.load %arg1[%get3A_126, %get3A_127, %get3A_128] : memref<26x16x8192xf32, #tpu.memory_space<vmem>>, vector<1x16x8192xf32>
    %get3A_130 = vector.shape_cast %get3A_129 : vector<1x16x8192xf32> to vector<16x8192xf32>
    %slice3A_131 = vector.extract_strided_slice %get3A_1 {offsets = [0, 7], sizes = [16, 1], strides = [1, 1]} : vector<16x26xf32> to vector<16x1xf32>
    %mul3A_132 = vector.broadcast %slice3A_131 : vector<16x1xf32> to vector<16x8192xf32>
    %mul3A_133 = arith.mulf %get3A_130, %mul3A_132 : vector<16x8192xf32>
    %add3A_134 = arith.addf %add3A_116, %mul3A_133 : vector<16x8192xf32>
    %get3A_135 = arith.constant 7 : index
    %get3A_136 = arith.constant 0 : index
    %get3A_137 = arith.constant 0 : index
    %get3A_138 = vector.load %arg2[%get3A_135, %get3A_136, %get3A_137] : memref<26x1x8192xf32, #tpu.memory_space<vmem>>, vector<1x1x8192xf32>
    %get3A_139 = vector.shape_cast %get3A_138 : vector<1x1x8192xf32> to vector<1x8192xf32>
    %slice3A_140 = vector.extract_strided_slice %get3A_4 {offsets = [7, 0], sizes = [1, 1], strides = [1, 1]} : vector<26x1xf32> to vector<1x1xf32>
    %mul3A_141 = vector.broadcast %slice3A_140 : vector<1x1xf32> to vector<1x8192xf32>
    %mul3A_142 = arith.mulf %get3A_139, %mul3A_141 : vector<1x8192xf32>
    %add3A_143 = arith.addf %add3A_125, %mul3A_142 : vector<1x8192xf32>
    %get3A_144 = arith.constant 8 : index
    %get3A_145 = arith.constant 0 : index
    %get3A_146 = arith.constant 0 : index
    %get3A_147 = vector.load %arg1[%get3A_144, %get3A_145, %get3A_146] : memref<26x16x8192xf32, #tpu.memory_space<vmem>>, vector<1x16x8192xf32>
    %get3A_148 = vector.shape_cast %get3A_147 : vector<1x16x8192xf32> to vector<16x8192xf32>
    %slice3A_149 = vector.extract_strided_slice %get3A_1 {offsets = [0, 8], sizes = [16, 1], strides = [1, 1]} : vector<16x26xf32> to vector<16x1xf32>
    %mul3A_150 = vector.broadcast %slice3A_149 : vector<16x1xf32> to vector<16x8192xf32>
    %mul3A_151 = arith.mulf %get3A_148, %mul3A_150 : vector<16x8192xf32>
    %add3A_152 = arith.addf %add3A_134, %mul3A_151 : vector<16x8192xf32>
    %get3A_153 = arith.constant 8 : index
    %get3A_154 = arith.constant 0 : index
    %get3A_155 = arith.constant 0 : index
    %get3A_156 = vector.load %arg2[%get3A_153, %get3A_154, %get3A_155] : memref<26x1x8192xf32, #tpu.memory_space<vmem>>, vector<1x1x8192xf32>
    %get3A_157 = vector.shape_cast %get3A_156 : vector<1x1x8192xf32> to vector<1x8192xf32>
    %slice3A_158 = vector.extract_strided_slice %get3A_4 {offsets = [8, 0], sizes = [1, 1], strides = [1, 1]} : vector<26x1xf32> to vector<1x1xf32>
    %mul3A_159 = vector.broadcast %slice3A_158 : vector<1x1xf32> to vector<1x8192xf32>
    %mul3A_160 = arith.mulf %get3A_157, %mul3A_159 : vector<1x8192xf32>
    %add3A_161 = arith.addf %add3A_143, %mul3A_160 : vector<1x8192xf32>
    %get3A_162 = arith.constant 9 : index
    %get3A_163 = arith.constant 0 : index
    %get3A_164 = arith.constant 0 : index
    %get3A_165 = vector.load %arg1[%get3A_162, %get3A_163, %get3A_164] : memref<26x16x8192xf32, #tpu.memory_space<vmem>>, vector<1x16x8192xf32>
    %get3A_166 = vector.shape_cast %get3A_165 : vector<1x16x8192xf32> to vector<16x8192xf32>
    %slice3A_167 = vector.extract_strided_slice %get3A_1 {offsets = [0, 9], sizes = [16, 1], strides = [1, 1]} : vector<16x26xf32> to vector<16x1xf32>
    %mul3A_168 = vector.broadcast %slice3A_167 : vector<16x1xf32> to vector<16x8192xf32>
    %mul3A_169 = arith.mulf %get3A_166, %mul3A_168 : vector<16x8192xf32>
    %add3A_170 = arith.addf %add3A_152, %mul3A_169 : vector<16x8192xf32>
    %get3A_171 = arith.constant 9 : index
    %get3A_172 = arith.constant 0 : index
    %get3A_173 = arith.constant 0 : index
    %get3A_174 = vector.load %arg2[%get3A_171, %get3A_172, %get3A_173] : memref<26x1x8192xf32, #tpu.memory_space<vmem>>, vector<1x1x8192xf32>
    %get3A_175 = vector.shape_cast %get3A_174 : vector<1x1x8192xf32> to vector<1x8192xf32>
    %slice3A_176 = vector.extract_strided_slice %get3A_4 {offsets = [9, 0], sizes = [1, 1], strides = [1, 1]} : vector<26x1xf32> to vector<1x1xf32>
    %mul3A_177 = vector.broadcast %slice3A_176 : vector<1x1xf32> to vector<1x8192xf32>
    %mul3A_178 = arith.mulf %get3A_175, %mul3A_177 : vector<1x8192xf32>
    %add3A_179 = arith.addf %add3A_161, %mul3A_178 : vector<1x8192xf32>
    %get3A_180 = arith.constant 10 : index
    %get3A_181 = arith.constant 0 : index
    %get3A_182 = arith.constant 0 : index
    %get3A_183 = vector.load %arg1[%get3A_180, %get3A_181, %get3A_182] : memref<26x16x8192xf32, #tpu.memory_space<vmem>>, vector<1x16x8192xf32>
    %get3A_184 = vector.shape_cast %get3A_183 : vector<1x16x8192xf32> to vector<16x8192xf32>
    %slice3A_185 = vector.extract_strided_slice %get3A_1 {offsets = [0, 10], sizes = [16, 1], strides = [1, 1]} : vector<16x26xf32> to vector<16x1xf32>
    %mul3A_186 = vector.broadcast %slice3A_185 : vector<16x1xf32> to vector<16x8192xf32>
    %mul3A_187 = arith.mulf %get3A_184, %mul3A_186 : vector<16x8192xf32>
    %add3A_188 = arith.addf %add3A_170, %mul3A_187 : vector<16x8192xf32>
    %get3A_189 = arith.constant 10 : index
    %get3A_190 = arith.constant 0 : index
    %get3A_191 = arith.constant 0 : index
    %get3A_192 = vector.load %arg2[%get3A_189, %get3A_190, %get3A_191] : memref<26x1x8192xf32, #tpu.memory_space<vmem>>, vector<1x1x8192xf32>
    %get3A_193 = vector.shape_cast %get3A_192 : vector<1x1x8192xf32> to vector<1x8192xf32>
    %slice3A_194 = vector.extract_strided_slice %get3A_4 {offsets = [10, 0], sizes = [1, 1], strides = [1, 1]} : vector<26x1xf32> to vector<1x1xf32>
    %mul3A_195 = vector.broadcast %slice3A_194 : vector<1x1xf32> to vector<1x8192xf32>
    %mul3A_196 = arith.mulf %get3A_193, %mul3A_195 : vector<1x8192xf32>
    %add3A_197 = arith.addf %add3A_179, %mul3A_196 : vector<1x8192xf32>
    %get3A_198 = arith.constant 11 : index
    %get3A_199 = arith.constant 0 : index
    %get3A_200 = arith.constant 0 : index
    %get3A_201 = vector.load %arg1[%get3A_198, %get3A_199, %get3A_200] : memref<26x16x8192xf32, #tpu.memory_space<vmem>>, vector<1x16x8192xf32>
    %get3A_202 = vector.shape_cast %get3A_201 : vector<1x16x8192xf32> to vector<16x8192xf32>
    %slice3A_203 = vector.extract_strided_slice %get3A_1 {offsets = [0, 11], sizes = [16, 1], strides = [1, 1]} : vector<16x26xf32> to vector<16x1xf32>
    %mul3A_204 = vector.broadcast %slice3A_203 : vector<16x1xf32> to vector<16x8192xf32>
    %mul3A_205 = arith.mulf %get3A_202, %mul3A_204 : vector<16x8192xf32>
    %add3A_206 = arith.addf %add3A_188, %mul3A_205 : vector<16x8192xf32>
    %get3A_207 = arith.constant 11 : index
    %get3A_208 = arith.constant 0 : index
    %get3A_209 = arith.constant 0 : index
    %get3A_210 = vector.load %arg2[%get3A_207, %get3A_208, %get3A_209] : memref<26x1x8192xf32, #tpu.memory_space<vmem>>, vector<1x1x8192xf32>
    %get3A_211 = vector.shape_cast %get3A_210 : vector<1x1x8192xf32> to vector<1x8192xf32>
    %slice3A_212 = vector.extract_strided_slice %get3A_4 {offsets = [11, 0], sizes = [1, 1], strides = [1, 1]} : vector<26x1xf32> to vector<1x1xf32>
    %mul3A_213 = vector.broadcast %slice3A_212 : vector<1x1xf32> to vector<1x8192xf32>
    %mul3A_214 = arith.mulf %get3A_211, %mul3A_213 : vector<1x8192xf32>
    %add3A_215 = arith.addf %add3A_197, %mul3A_214 : vector<1x8192xf32>
    %get3A_216 = arith.constant 12 : index
    %get3A_217 = arith.constant 0 : index
    %get3A_218 = arith.constant 0 : index
    %get3A_219 = vector.load %arg1[%get3A_216, %get3A_217, %get3A_218] : memref<26x16x8192xf32, #tpu.memory_space<vmem>>, vector<1x16x8192xf32>
    %get3A_220 = vector.shape_cast %get3A_219 : vector<1x16x8192xf32> to vector<16x8192xf32>
    %slice3A_221 = vector.extract_strided_slice %get3A_1 {offsets = [0, 12], sizes = [16, 1], strides = [1, 1]} : vector<16x26xf32> to vector<16x1xf32>
    %mul3A_222 = vector.broadcast %slice3A_221 : vector<16x1xf32> to vector<16x8192xf32>
    %mul3A_223 = arith.mulf %get3A_220, %mul3A_222 : vector<16x8192xf32>
    %add3A_224 = arith.addf %add3A_206, %mul3A_223 : vector<16x8192xf32>
    %get3A_225 = arith.constant 12 : index
    %get3A_226 = arith.constant 0 : index
    %get3A_227 = arith.constant 0 : index
    %get3A_228 = vector.load %arg2[%get3A_225, %get3A_226, %get3A_227] : memref<26x1x8192xf32, #tpu.memory_space<vmem>>, vector<1x1x8192xf32>
    %get3A_229 = vector.shape_cast %get3A_228 : vector<1x1x8192xf32> to vector<1x8192xf32>
    %slice3A_230 = vector.extract_strided_slice %get3A_4 {offsets = [12, 0], sizes = [1, 1], strides = [1, 1]} : vector<26x1xf32> to vector<1x1xf32>
    %mul3A_231 = vector.broadcast %slice3A_230 : vector<1x1xf32> to vector<1x8192xf32>
    %mul3A_232 = arith.mulf %get3A_229, %mul3A_231 : vector<1x8192xf32>
    %add3A_233 = arith.addf %add3A_215, %mul3A_232 : vector<1x8192xf32>
    %get3A_234 = arith.constant 13 : index
    %get3A_235 = arith.constant 0 : index
    %get3A_236 = arith.constant 0 : index
    %get3A_237 = vector.load %arg1[%get3A_234, %get3A_235, %get3A_236] : memref<26x16x8192xf32, #tpu.memory_space<vmem>>, vector<1x16x8192xf32>
    %get3A_238 = vector.shape_cast %get3A_237 : vector<1x16x8192xf32> to vector<16x8192xf32>
    %slice3A_239 = vector.extract_strided_slice %get3A_1 {offsets = [0, 13], sizes = [16, 1], strides = [1, 1]} : vector<16x26xf32> to vector<16x1xf32>
    %mul3A_240 = vector.broadcast %slice3A_239 : vector<16x1xf32> to vector<16x8192xf32>
    %mul3A_241 = arith.mulf %get3A_238, %mul3A_240 : vector<16x8192xf32>
    %add3A_242 = arith.addf %add3A_224, %mul3A_241 : vector<16x8192xf32>
    %get3A_243 = arith.constant 13 : index
    %get3A_244 = arith.constant 0 : index
    %get3A_245 = arith.constant 0 : index
    %get3A_246 = vector.load %arg2[%get3A_243, %get3A_244, %get3A_245] : memref<26x1x8192xf32, #tpu.memory_space<vmem>>, vector<1x1x8192xf32>
    %get3A_247 = vector.shape_cast %get3A_246 : vector<1x1x8192xf32> to vector<1x8192xf32>
    %slice3A_248 = vector.extract_strided_slice %get3A_4 {offsets = [13, 0], sizes = [1, 1], strides = [1, 1]} : vector<26x1xf32> to vector<1x1xf32>
    %mul3A_249 = vector.broadcast %slice3A_248 : vector<1x1xf32> to vector<1x8192xf32>
    %mul3A_250 = arith.mulf %get3A_247, %mul3A_249 : vector<1x8192xf32>
    %add3A_251 = arith.addf %add3A_233, %mul3A_250 : vector<1x8192xf32>
    %get3A_252 = arith.constant 14 : index
    %get3A_253 = arith.constant 0 : index
    %get3A_254 = arith.constant 0 : index
    %get3A_255 = vector.load %arg1[%get3A_252, %get3A_253, %get3A_254] : memref<26x16x8192xf32, #tpu.memory_space<vmem>>, vector<1x16x8192xf32>
    %get3A_256 = vector.shape_cast %get3A_255 : vector<1x16x8192xf32> to vector<16x8192xf32>
    %slice3A_257 = vector.extract_strided_slice %get3A_1 {offsets = [0, 14], sizes = [16, 1], strides = [1, 1]} : vector<16x26xf32> to vector<16x1xf32>
    %mul3A_258 = vector.broadcast %slice3A_257 : vector<16x1xf32> to vector<16x8192xf32>
    %mul3A_259 = arith.mulf %get3A_256, %mul3A_258 : vector<16x8192xf32>
    %add3A_260 = arith.addf %add3A_242, %mul3A_259 : vector<16x8192xf32>
    %get3A_261 = arith.constant 14 : index
    %get3A_262 = arith.constant 0 : index
    %get3A_263 = arith.constant 0 : index
    %get3A_264 = vector.load %arg2[%get3A_261, %get3A_262, %get3A_263] : memref<26x1x8192xf32, #tpu.memory_space<vmem>>, vector<1x1x8192xf32>
    %get3A_265 = vector.shape_cast %get3A_264 : vector<1x1x8192xf32> to vector<1x8192xf32>
    %slice3A_266 = vector.extract_strided_slice %get3A_4 {offsets = [14, 0], sizes = [1, 1], strides = [1, 1]} : vector<26x1xf32> to vector<1x1xf32>
    %mul3A_267 = vector.broadcast %slice3A_266 : vector<1x1xf32> to vector<1x8192xf32>
    %mul3A_268 = arith.mulf %get3A_265, %mul3A_267 : vector<1x8192xf32>
    %add3A_269 = arith.addf %add3A_251, %mul3A_268 : vector<1x8192xf32>
    %get3A_270 = arith.constant 15 : index
    %get3A_271 = arith.constant 0 : index
    %get3A_272 = arith.constant 0 : index
    %get3A_273 = vector.load %arg1[%get3A_270, %get3A_271, %get3A_272] : memref<26x16x8192xf32, #tpu.memory_space<vmem>>, vector<1x16x8192xf32>
    %get3A_274 = vector.shape_cast %get3A_273 : vector<1x16x8192xf32> to vector<16x8192xf32>
    %slice3A_275 = vector.extract_strided_slice %get3A_1 {offsets = [0, 15], sizes = [16, 1], strides = [1, 1]} : vector<16x26xf32> to vector<16x1xf32>
    %mul3A_276 = vector.broadcast %slice3A_275 : vector<16x1xf32> to vector<16x8192xf32>
    %mul3A_277 = arith.mulf %get3A_274, %mul3A_276 : vector<16x8192xf32>
    %add3A_278 = arith.addf %add3A_260, %mul3A_277 : vector<16x8192xf32>
    %get3A_279 = arith.constant 15 : index
    %get3A_280 = arith.constant 0 : index
    %get3A_281 = arith.constant 0 : index
    %get3A_282 = vector.load %arg2[%get3A_279, %get3A_280, %get3A_281] : memref<26x1x8192xf32, #tpu.memory_space<vmem>>, vector<1x1x8192xf32>
    %get3A_283 = vector.shape_cast %get3A_282 : vector<1x1x8192xf32> to vector<1x8192xf32>
    %slice3A_284 = vector.extract_strided_slice %get3A_4 {offsets = [15, 0], sizes = [1, 1], strides = [1, 1]} : vector<26x1xf32> to vector<1x1xf32>
    %mul3A_285 = vector.broadcast %slice3A_284 : vector<1x1xf32> to vector<1x8192xf32>
    %mul3A_286 = arith.mulf %get3A_283, %mul3A_285 : vector<1x8192xf32>
    %add3A_287 = arith.addf %add3A_269, %mul3A_286 : vector<1x8192xf32>
    %get3A_288 = arith.constant 16 : index
    %get3A_289 = arith.constant 0 : index
    %get3A_290 = arith.constant 0 : index
    %get3A_291 = vector.load %arg1[%get3A_288, %get3A_289, %get3A_290] : memref<26x16x8192xf32, #tpu.memory_space<vmem>>, vector<1x16x8192xf32>
    %get3A_292 = vector.shape_cast %get3A_291 : vector<1x16x8192xf32> to vector<16x8192xf32>
    %slice3A_293 = vector.extract_strided_slice %get3A_1 {offsets = [0, 16], sizes = [16, 1], strides = [1, 1]} : vector<16x26xf32> to vector<16x1xf32>
    %mul3A_294 = vector.broadcast %slice3A_293 : vector<16x1xf32> to vector<16x8192xf32>
    %mul3A_295 = arith.mulf %get3A_292, %mul3A_294 : vector<16x8192xf32>
    %add3A_296 = arith.addf %add3A_278, %mul3A_295 : vector<16x8192xf32>
    %get3A_297 = arith.constant 16 : index
    %get3A_298 = arith.constant 0 : index
    %get3A_299 = arith.constant 0 : index
    %get3A_300 = vector.load %arg2[%get3A_297, %get3A_298, %get3A_299] : memref<26x1x8192xf32, #tpu.memory_space<vmem>>, vector<1x1x8192xf32>
    %get3A_301 = vector.shape_cast %get3A_300 : vector<1x1x8192xf32> to vector<1x8192xf32>
    %slice3A_302 = vector.extract_strided_slice %get3A_4 {offsets = [16, 0], sizes = [1, 1], strides = [1, 1]} : vector<26x1xf32> to vector<1x1xf32>
    %mul3A_303 = vector.broadcast %slice3A_302 : vector<1x1xf32> to vector<1x8192xf32>
    %mul3A_304 = arith.mulf %get3A_301, %mul3A_303 : vector<1x8192xf32>
    %add3A_305 = arith.addf %add3A_287, %mul3A_304 : vector<1x8192xf32>
    %get3A_306 = arith.constant 17 : index
    %get3A_307 = arith.constant 0 : index
    %get3A_308 = arith.constant 0 : index
    %get3A_309 = vector.load %arg1[%get3A_306, %get3A_307, %get3A_308] : memref<26x16x8192xf32, #tpu.memory_space<vmem>>, vector<1x16x8192xf32>
    %get3A_310 = vector.shape_cast %get3A_309 : vector<1x16x8192xf32> to vector<16x8192xf32>
    %slice3A_311 = vector.extract_strided_slice %get3A_1 {offsets = [0, 17], sizes = [16, 1], strides = [1, 1]} : vector<16x26xf32> to vector<16x1xf32>
    %mul3A_312 = vector.broadcast %slice3A_311 : vector<16x1xf32> to vector<16x8192xf32>
    %mul3A_313 = arith.mulf %get3A_310, %mul3A_312 : vector<16x8192xf32>
    %add3A_314 = arith.addf %add3A_296, %mul3A_313 : vector<16x8192xf32>
    %get3A_315 = arith.constant 17 : index
    %get3A_316 = arith.constant 0 : index
    %get3A_317 = arith.constant 0 : index
    %get3A_318 = vector.load %arg2[%get3A_315, %get3A_316, %get3A_317] : memref<26x1x8192xf32, #tpu.memory_space<vmem>>, vector<1x1x8192xf32>
    %get3A_319 = vector.shape_cast %get3A_318 : vector<1x1x8192xf32> to vector<1x8192xf32>
    %slice3A_320 = vector.extract_strided_slice %get3A_4 {offsets = [17, 0], sizes = [1, 1], strides = [1, 1]} : vector<26x1xf32> to vector<1x1xf32>
    %mul3A_321 = vector.broadcast %slice3A_320 : vector<1x1xf32> to vector<1x8192xf32>
    %mul3A_322 = arith.mulf %get3A_319, %mul3A_321 : vector<1x8192xf32>
    %add3A_323 = arith.addf %add3A_305, %mul3A_322 : vector<1x8192xf32>
    %get3A_324 = arith.constant 18 : index
    %get3A_325 = arith.constant 0 : index
    %get3A_326 = arith.constant 0 : index
    %get3A_327 = vector.load %arg1[%get3A_324, %get3A_325, %get3A_326] : memref<26x16x8192xf32, #tpu.memory_space<vmem>>, vector<1x16x8192xf32>
    %get3A_328 = vector.shape_cast %get3A_327 : vector<1x16x8192xf32> to vector<16x8192xf32>
    %slice3A_329 = vector.extract_strided_slice %get3A_1 {offsets = [0, 18], sizes = [16, 1], strides = [1, 1]} : vector<16x26xf32> to vector<16x1xf32>
    %mul3A_330 = vector.broadcast %slice3A_329 : vector<16x1xf32> to vector<16x8192xf32>
    %mul3A_331 = arith.mulf %get3A_328, %mul3A_330 : vector<16x8192xf32>
    %add3A_332 = arith.addf %add3A_314, %mul3A_331 : vector<16x8192xf32>
    %get3A_333 = arith.constant 18 : index
    %get3A_334 = arith.constant 0 : index
    %get3A_335 = arith.constant 0 : index
    %get3A_336 = vector.load %arg2[%get3A_333, %get3A_334, %get3A_335] : memref<26x1x8192xf32, #tpu.memory_space<vmem>>, vector<1x1x8192xf32>
    %get3A_337 = vector.shape_cast %get3A_336 : vector<1x1x8192xf32> to vector<1x8192xf32>
    %slice3A_338 = vector.extract_strided_slice %get3A_4 {offsets = [18, 0], sizes = [1, 1], strides = [1, 1]} : vector<26x1xf32> to vector<1x1xf32>
    %mul3A_339 = vector.broadcast %slice3A_338 : vector<1x1xf32> to vector<1x8192xf32>
    %mul3A_340 = arith.mulf %get3A_337, %mul3A_339 : vector<1x8192xf32>
    %add3A_341 = arith.addf %add3A_323, %mul3A_340 : vector<1x8192xf32>
    %get3A_342 = arith.constant 19 : index
    %get3A_343 = arith.constant 0 : index
    %get3A_344 = arith.constant 0 : index
    %get3A_345 = vector.load %arg1[%get3A_342, %get3A_343, %get3A_344] : memref<26x16x8192xf32, #tpu.memory_space<vmem>>, vector<1x16x8192xf32>
    %get3A_346 = vector.shape_cast %get3A_345 : vector<1x16x8192xf32> to vector<16x8192xf32>
    %slice3A_347 = vector.extract_strided_slice %get3A_1 {offsets = [0, 19], sizes = [16, 1], strides = [1, 1]} : vector<16x26xf32> to vector<16x1xf32>
    %mul3A_348 = vector.broadcast %slice3A_347 : vector<16x1xf32> to vector<16x8192xf32>
    %mul3A_349 = arith.mulf %get3A_346, %mul3A_348 : vector<16x8192xf32>
    %add3A_350 = arith.addf %add3A_332, %mul3A_349 : vector<16x8192xf32>
    %get3A_351 = arith.constant 19 : index
    %get3A_352 = arith.constant 0 : index
    %get3A_353 = arith.constant 0 : index
    %get3A_354 = vector.load %arg2[%get3A_351, %get3A_352, %get3A_353] : memref<26x1x8192xf32, #tpu.memory_space<vmem>>, vector<1x1x8192xf32>
    %get3A_355 = vector.shape_cast %get3A_354 : vector<1x1x8192xf32> to vector<1x8192xf32>
    %slice3A_356 = vector.extract_strided_slice %get3A_4 {offsets = [19, 0], sizes = [1, 1], strides = [1, 1]} : vector<26x1xf32> to vector<1x1xf32>
    %mul3A_357 = vector.broadcast %slice3A_356 : vector<1x1xf32> to vector<1x8192xf32>
    %mul3A_358 = arith.mulf %get3A_355, %mul3A_357 : vector<1x8192xf32>
    %add3A_359 = arith.addf %add3A_341, %mul3A_358 : vector<1x8192xf32>
    %get3A_360 = arith.constant 20 : index
    %get3A_361 = arith.constant 0 : index
    %get3A_362 = arith.constant 0 : index
    %get3A_363 = vector.load %arg1[%get3A_360, %get3A_361, %get3A_362] : memref<26x16x8192xf32, #tpu.memory_space<vmem>>, vector<1x16x8192xf32>
    %get3A_364 = vector.shape_cast %get3A_363 : vector<1x16x8192xf32> to vector<16x8192xf32>
    %slice3A_365 = vector.extract_strided_slice %get3A_1 {offsets = [0, 20], sizes = [16, 1], strides = [1, 1]} : vector<16x26xf32> to vector<16x1xf32>
    %mul3A_366 = vector.broadcast %slice3A_365 : vector<16x1xf32> to vector<16x8192xf32>
    %mul3A_367 = arith.mulf %get3A_364, %mul3A_366 : vector<16x8192xf32>
    %add3A_368 = arith.addf %add3A_350, %mul3A_367 : vector<16x8192xf32>
    %get3A_369 = arith.constant 20 : index
    %get3A_370 = arith.constant 0 : index
    %get3A_371 = arith.constant 0 : index
    %get3A_372 = vector.load %arg2[%get3A_369, %get3A_370, %get3A_371] : memref<26x1x8192xf32, #tpu.memory_space<vmem>>, vector<1x1x8192xf32>
    %get3A_373 = vector.shape_cast %get3A_372 : vector<1x1x8192xf32> to vector<1x8192xf32>
    %slice3A_374 = vector.extract_strided_slice %get3A_4 {offsets = [20, 0], sizes = [1, 1], strides = [1, 1]} : vector<26x1xf32> to vector<1x1xf32>
    %mul3A_375 = vector.broadcast %slice3A_374 : vector<1x1xf32> to vector<1x8192xf32>
    %mul3A_376 = arith.mulf %get3A_373, %mul3A_375 : vector<1x8192xf32>
    %add3A_377 = arith.addf %add3A_359, %mul3A_376 : vector<1x8192xf32>
    %get3A_378 = arith.constant 21 : index
    %get3A_379 = arith.constant 0 : index
    %get3A_380 = arith.constant 0 : index
    %get3A_381 = vector.load %arg1[%get3A_378, %get3A_379, %get3A_380] : memref<26x16x8192xf32, #tpu.memory_space<vmem>>, vector<1x16x8192xf32>
    %get3A_382 = vector.shape_cast %get3A_381 : vector<1x16x8192xf32> to vector<16x8192xf32>
    %slice3A_383 = vector.extract_strided_slice %get3A_1 {offsets = [0, 21], sizes = [16, 1], strides = [1, 1]} : vector<16x26xf32> to vector<16x1xf32>
    %mul3A_384 = vector.broadcast %slice3A_383 : vector<16x1xf32> to vector<16x8192xf32>
    %mul3A_385 = arith.mulf %get3A_382, %mul3A_384 : vector<16x8192xf32>
    %add3A_386 = arith.addf %add3A_368, %mul3A_385 : vector<16x8192xf32>
    %get3A_387 = arith.constant 21 : index
    %get3A_388 = arith.constant 0 : index
    %get3A_389 = arith.constant 0 : index
    %get3A_390 = vector.load %arg2[%get3A_387, %get3A_388, %get3A_389] : memref<26x1x8192xf32, #tpu.memory_space<vmem>>, vector<1x1x8192xf32>
    %get3A_391 = vector.shape_cast %get3A_390 : vector<1x1x8192xf32> to vector<1x8192xf32>
    %slice3A_392 = vector.extract_strided_slice %get3A_4 {offsets = [21, 0], sizes = [1, 1], strides = [1, 1]} : vector<26x1xf32> to vector<1x1xf32>
    %mul3A_393 = vector.broadcast %slice3A_392 : vector<1x1xf32> to vector<1x8192xf32>
    %mul3A_394 = arith.mulf %get3A_391, %mul3A_393 : vector<1x8192xf32>
    %add3A_395 = arith.addf %add3A_377, %mul3A_394 : vector<1x8192xf32>
    %get3A_396 = arith.constant 22 : index
    %get3A_397 = arith.constant 0 : index
    %get3A_398 = arith.constant 0 : index
    %get3A_399 = vector.load %arg1[%get3A_396, %get3A_397, %get3A_398] : memref<26x16x8192xf32, #tpu.memory_space<vmem>>, vector<1x16x8192xf32>
    %get3A_400 = vector.shape_cast %get3A_399 : vector<1x16x8192xf32> to vector<16x8192xf32>
    %slice3A_401 = vector.extract_strided_slice %get3A_1 {offsets = [0, 22], sizes = [16, 1], strides = [1, 1]} : vector<16x26xf32> to vector<16x1xf32>
    %mul3A_402 = vector.broadcast %slice3A_401 : vector<16x1xf32> to vector<16x8192xf32>
    %mul3A_403 = arith.mulf %get3A_400, %mul3A_402 : vector<16x8192xf32>
    %add3A_404 = arith.addf %add3A_386, %mul3A_403 : vector<16x8192xf32>
    %get3A_405 = arith.constant 22 : index
    %get3A_406 = arith.constant 0 : index
    %get3A_407 = arith.constant 0 : index
    %get3A_408 = vector.load %arg2[%get3A_405, %get3A_406, %get3A_407] : memref<26x1x8192xf32, #tpu.memory_space<vmem>>, vector<1x1x8192xf32>
    %get3A_409 = vector.shape_cast %get3A_408 : vector<1x1x8192xf32> to vector<1x8192xf32>
    %slice3A_410 = vector.extract_strided_slice %get3A_4 {offsets = [22, 0], sizes = [1, 1], strides = [1, 1]} : vector<26x1xf32> to vector<1x1xf32>
    %mul3A_411 = vector.broadcast %slice3A_410 : vector<1x1xf32> to vector<1x8192xf32>
    %mul3A_412 = arith.mulf %get3A_409, %mul3A_411 : vector<1x8192xf32>
    %add3A_413 = arith.addf %add3A_395, %mul3A_412 : vector<1x8192xf32>
    %get3A_414 = arith.constant 23 : index
    %get3A_415 = arith.constant 0 : index
    %get3A_416 = arith.constant 0 : index
    %get3A_417 = vector.load %arg1[%get3A_414, %get3A_415, %get3A_416] : memref<26x16x8192xf32, #tpu.memory_space<vmem>>, vector<1x16x8192xf32>
    %get3A_418 = vector.shape_cast %get3A_417 : vector<1x16x8192xf32> to vector<16x8192xf32>
    %slice3A_419 = vector.extract_strided_slice %get3A_1 {offsets = [0, 23], sizes = [16, 1], strides = [1, 1]} : vector<16x26xf32> to vector<16x1xf32>
    %mul3A_420 = vector.broadcast %slice3A_419 : vector<16x1xf32> to vector<16x8192xf32>
    %mul3A_421 = arith.mulf %get3A_418, %mul3A_420 : vector<16x8192xf32>
    %add3A_422 = arith.addf %add3A_404, %mul3A_421 : vector<16x8192xf32>
    %get3A_423 = arith.constant 23 : index
    %get3A_424 = arith.constant 0 : index
    %get3A_425 = arith.constant 0 : index
    %get3A_426 = vector.load %arg2[%get3A_423, %get3A_424, %get3A_425] : memref<26x1x8192xf32, #tpu.memory_space<vmem>>, vector<1x1x8192xf32>
    %get3A_427 = vector.shape_cast %get3A_426 : vector<1x1x8192xf32> to vector<1x8192xf32>
    %slice3A_428 = vector.extract_strided_slice %get3A_4 {offsets = [23, 0], sizes = [1, 1], strides = [1, 1]} : vector<26x1xf32> to vector<1x1xf32>
    %mul3A_429 = vector.broadcast %slice3A_428 : vector<1x1xf32> to vector<1x8192xf32>
    %mul3A_430 = arith.mulf %get3A_427, %mul3A_429 : vector<1x8192xf32>
    %add3A_431 = arith.addf %add3A_413, %mul3A_430 : vector<1x8192xf32>
    %get3A_432 = arith.constant 24 : index
    %get3A_433 = arith.constant 0 : index
    %get3A_434 = arith.constant 0 : index
    %get3A_435 = vector.load %arg1[%get3A_432, %get3A_433, %get3A_434] : memref<26x16x8192xf32, #tpu.memory_space<vmem>>, vector<1x16x8192xf32>
    %get3A_436 = vector.shape_cast %get3A_435 : vector<1x16x8192xf32> to vector<16x8192xf32>
    %slice3A_437 = vector.extract_strided_slice %get3A_1 {offsets = [0, 24], sizes = [16, 1], strides = [1, 1]} : vector<16x26xf32> to vector<16x1xf32>
    %mul3A_438 = vector.broadcast %slice3A_437 : vector<16x1xf32> to vector<16x8192xf32>
    %mul3A_439 = arith.mulf %get3A_436, %mul3A_438 : vector<16x8192xf32>
    %add3A_440 = arith.addf %add3A_422, %mul3A_439 : vector<16x8192xf32>
    %get3A_441 = arith.constant 24 : index
    %get3A_442 = arith.constant 0 : index
    %get3A_443 = arith.constant 0 : index
    %get3A_444 = vector.load %arg2[%get3A_441, %get3A_442, %get3A_443] : memref<26x1x8192xf32, #tpu.memory_space<vmem>>, vector<1x1x8192xf32>
    %get3A_445 = vector.shape_cast %get3A_444 : vector<1x1x8192xf32> to vector<1x8192xf32>
    %slice3A_446 = vector.extract_strided_slice %get3A_4 {offsets = [24, 0], sizes = [1, 1], strides = [1, 1]} : vector<26x1xf32> to vector<1x1xf32>
    %mul3A_447 = vector.broadcast %slice3A_446 : vector<1x1xf32> to vector<1x8192xf32>
    %mul3A_448 = arith.mulf %get3A_445, %mul3A_447 : vector<1x8192xf32>
    %add3A_449 = arith.addf %add3A_431, %mul3A_448 : vector<1x8192xf32>
    %get3A_450 = arith.constant 25 : index
    %get3A_451 = arith.constant 0 : index
    %get3A_452 = arith.constant 0 : index
    %get3A_453 = vector.load %arg1[%get3A_450, %get3A_451, %get3A_452] : memref<26x16x8192xf32, #tpu.memory_space<vmem>>, vector<1x16x8192xf32>
    %get3A_454 = vector.shape_cast %get3A_453 : vector<1x16x8192xf32> to vector<16x8192xf32>
    %slice3A_455 = vector.extract_strided_slice %get3A_1 {offsets = [0, 25], sizes = [16, 1], strides = [1, 1]} : vector<16x26xf32> to vector<16x1xf32>
    %mul3A_456 = vector.broadcast %slice3A_455 : vector<16x1xf32> to vector<16x8192xf32>
    %mul3A_457 = arith.mulf %get3A_454, %mul3A_456 : vector<16x8192xf32>
    %add3A_458 = arith.addf %add3A_440, %mul3A_457 : vector<16x8192xf32>
    %get3A_459 = arith.constant 25 : index
    %get3A_460 = arith.constant 0 : index
    %get3A_461 = arith.constant 0 : index
    %get3A_462 = vector.load %arg2[%get3A_459, %get3A_460, %get3A_461] : memref<26x1x8192xf32, #tpu.memory_space<vmem>>, vector<1x1x8192xf32>
    %get3A_463 = vector.shape_cast %get3A_462 : vector<1x1x8192xf32> to vector<1x8192xf32>
    %slice3A_464 = vector.extract_strided_slice %get3A_4 {offsets = [25, 0], sizes = [1, 1], strides = [1, 1]} : vector<26x1xf32> to vector<1x1xf32>
    %mul3A_465 = vector.broadcast %slice3A_464 : vector<1x1xf32> to vector<1x8192xf32>
    %mul3A_466 = arith.mulf %get3A_463, %mul3A_465 : vector<1x8192xf32>
    %add3A_467 = arith.addf %add3A_449, %mul3A_466 : vector<1x8192xf32>
    %reduce_sum3A = arith.constant dense<0.000000e+00> : vector<8192xf32>
    %reduce_sum3A_468 = vector.multi_reduction <add>, %add3A_458, %reduce_sum3A [0] : vector<16x8192xf32> to vector<8192xf32>
    %broadcast_in_dim3A = vector.shape_cast %reduce_sum3A_468 : vector<8192xf32> to vector<1x8192xf32>
    %add3A_469 = arith.addf %broadcast_in_dim3A, %add3A_467 : vector<1x8192xf32>
    %get3A_470 = arith.constant 0 : index
    %get3A_471 = arith.constant 0 : index
    %get3A_472 = vector.load %arg5[%get3A_470, %get3A_471] : memref<1x1xf32, #tpu.memory_space<vmem>>, vector<1x1xf32>
    %add3A_473 = vector.broadcast %get3A_472 : vector<1x1xf32> to vector<1x8192xf32>
    %add3A_474 = arith.addf %add3A_469, %add3A_473 : vector<1x8192xf32>
    %logistic3A = arith.negf %add3A_474 : vector<1x8192xf32>
    %logistic3A_475 = math.exp %logistic3A : vector<1x8192xf32>
    %logistic3A_476 = arith.constant 1.000000e+00 : f32
    %logistic3A_477 = vector.broadcast %logistic3A_476 : f32 to vector<1x8192xf32>
    %logistic3A_478 = arith.addf %logistic3A_477, %logistic3A_475 : vector<1x8192xf32>
    %logistic3A_479 = arith.divf %logistic3A_477, %logistic3A_478 : vector<1x8192xf32>
    %reshape3A = vector.shape_cast %logistic3A_479 : vector<1x8192xf32> to vector<8192xf32>
    %swap3A = arith.constant 0 : index
    %swap3A_480 = vector.load %arg6[%swap3A] : memref<8192xf32, #tpu.memory_space<vmem>>, vector<8192xf32>
    tpu.vector_store %arg6[%swap3A], %reshape3A {strides = array<i32>} : memref<8192xf32, #tpu.memory_space<vmem>>, vector<8192xf32>,
    return
  }
  func.func @transform_0(%arg0: i32) -> (i32, i32, i32) {
    %c0_i32 = arith.constant 0 : i32
    %c0_i32_0 = arith.constant 0 : i32
    %c0_i32_1 = arith.constant 0 : i32
    return %c0_i32, %c0_i32_0, %arg0 : i32, i32, i32
  }
  func.func @transform_1(%arg0: i32) -> (i32, i32, i32) {
    %c0_i32 = arith.constant 0 : i32
    %c0_i32_0 = arith.constant 0 : i32
    %c0_i32_1 = arith.constant 0 : i32
    return %c0_i32, %c0_i32_0, %arg0 : i32, i32, i32
  }
  func.func @transform_2(%arg0: i32) -> (i32, i32) {
    %c0_i32 = arith.constant 0 : i32
    %c0_i32_0 = arith.constant 0 : i32
    %c0_i32_1 = arith.constant 0 : i32
    return %c0_i32, %c0_i32_0 : i32, i32
  }
  func.func @transform_3(%arg0: i32) -> (i32, i32) {
    %c0_i32 = arith.constant 0 : i32
    %c0_i32_0 = arith.constant 0 : i32
    %c0_i32_1 = arith.constant 0 : i32
    return %c0_i32, %c0_i32_0 : i32, i32
  }
  func.func @transform_4(%arg0: i32) -> (i32, i32) {
    %c0_i32 = arith.constant 0 : i32
    %c0_i32_0 = arith.constant 0 : i32
    %c0_i32_1 = arith.constant 0 : i32
    return %c0_i32, %c0_i32_0 : i32, i32
  }
  func.func @transform_5(%arg0: i32) -> i32 {
    %c0_i32 = arith.constant 0 : i32
    return %arg0 : i32
  }
}

module attributes {stable_mosaic.version = 14 : i64} {
  func.func @_collapse_body(%arg0: memref<443x256xf32, #tpu.memory_space<vmem>>, %arg1: memref<256x128xf32, #tpu.memory_space<vmem>>, %arg2: memref<128x1xf32, #tpu.memory_space<vmem>>, %arg3: memref<1x1xf32, #tpu.memory_space<vmem>>, %arg4: memref<1x256xf32, #tpu.memory_space<vmem>>, %arg5: memref<1x128xf32, #tpu.memory_space<vmem>>, %arg6: memref<1x1xf32, #tpu.memory_space<vmem>>, %arg7: memref<16x26xf32, #tpu.memory_space<vmem>>, %arg8: memref<26x1xf32, #tpu.memory_space<vmem>>, %arg9: memref<1x1xf32, #tpu.memory_space<vmem>>) attributes {dimension_semantics = [], scalar_prefetch = 0 : i64, scratch_operands = 0 : i64, tpu.core_type = #tpu.core_type<tc>} {
    %get3A = arith.constant 0 : index
    %get3A_0 = arith.constant 0 : index
    %get3A_1 = vector.load %arg1[%get3A, %get3A_0] : memref<256x128xf32, #tpu.memory_space<vmem>>, vector<256x128xf32>
    %get3A_2 = arith.constant 0 : index
    %get3A_3 = arith.constant 0 : index
    %get3A_4 = vector.load %arg2[%get3A_2, %get3A_3] : memref<128x1xf32, #tpu.memory_space<vmem>>, vector<128x1xf32>
    %dot_general3A = arith.constant dense<0.000000e+00> : vector<256x1xf32>
    %dot_general3A_5 = tpu.matmul %get3A_1, %get3A_4, %dot_general3A {dimension_numbers = #tpu.dot_dimension_numbers<[1], [0], [0], [1], [0, 0, 1, 1], [], []>, transpose_lhs_hint = false} : vector<256x128xf32>, vector<128x1xf32>, vector<256x1xf32> -> vector<256x1xf32>
    %get3A_6 = arith.constant 0 : index
    %get3A_7 = arith.constant 0 : index
    %get3A_8 = vector.load %arg0[%get3A_6, %get3A_7] : memref<443x256xf32, #tpu.memory_space<vmem>>, vector<443x256xf32>
    %dot_general3A_9 = arith.constant dense<0.000000e+00> : vector<443x1xf32>
    %dot_general3A_10 = tpu.matmul %get3A_8, %dot_general3A_5, %dot_general3A_9 {dimension_numbers = #tpu.dot_dimension_numbers<[1], [0], [0], [1], [0, 0, 1, 1], [], []>, transpose_lhs_hint = false} : vector<443x256xf32>, vector<256x1xf32>, vector<443x1xf32> -> vector<443x1xf32>
    %get3A_11 = arith.constant 0 : index
    %get3A_12 = arith.constant 0 : index
    %get3A_13 = vector.load %arg3[%get3A_11, %get3A_12] : memref<1x1xf32, #tpu.memory_space<vmem>>, vector<1x1xf32>
    %slice3A = vector.extract_strided_slice %dot_general3A_10 {offsets = [442, 0], sizes = [1, 1], strides = [1, 1]} : vector<443x1xf32> to vector<1x1xf32>
    %mul3A = arith.mulf %get3A_13, %slice3A : vector<1x1xf32>
    %get3A_14 = arith.constant 0 : index
    %get3A_15 = arith.constant 0 : index
    %get3A_16 = vector.load %arg4[%get3A_14, %get3A_15] : memref<1x256xf32, #tpu.memory_space<vmem>>, vector<1x256xf32>
    %dot_general3A_17 = arith.constant dense<0.000000e+00> : vector<1x1xf32>
    %dot_general3A_18 = tpu.matmul %get3A_16, %dot_general3A_5, %dot_general3A_17 {dimension_numbers = #tpu.dot_dimension_numbers<[1], [0], [0], [1], [0, 0, 1, 1], [], []>, transpose_lhs_hint = false} : vector<1x256xf32>, vector<256x1xf32>, vector<1x1xf32> -> vector<1x1xf32>
    %add3A = arith.addf %mul3A, %dot_general3A_18 : vector<1x1xf32>
    %get3A_19 = arith.constant 0 : index
    %get3A_20 = arith.constant 0 : index
    %get3A_21 = vector.load %arg5[%get3A_19, %get3A_20] : memref<1x128xf32, #tpu.memory_space<vmem>>, vector<1x128xf32>
    %get3A_22 = arith.constant 0 : index
    %get3A_23 = arith.constant 0 : index
    %get3A_24 = vector.load %arg2[%get3A_22, %get3A_23] : memref<128x1xf32, #tpu.memory_space<vmem>>, vector<128x1xf32>
    %dot_general3A_25 = arith.constant dense<0.000000e+00> : vector<1x1xf32>
    %dot_general3A_26 = tpu.matmul %get3A_21, %get3A_24, %dot_general3A_25 {dimension_numbers = #tpu.dot_dimension_numbers<[1], [0], [0], [1], [0, 0, 1, 1], [], []>, transpose_lhs_hint = false} : vector<1x128xf32>, vector<128x1xf32>, vector<1x1xf32> -> vector<1x1xf32>
    %add3A_27 = arith.addf %add3A, %dot_general3A_26 : vector<1x1xf32>
    %get3A_28 = arith.constant 0 : index
    %get3A_29 = arith.constant 0 : index
    %get3A_30 = vector.load %arg6[%get3A_28, %get3A_29] : memref<1x1xf32, #tpu.memory_space<vmem>>, vector<1x1xf32>
    %add3A_31 = arith.addf %add3A_27, %get3A_30 : vector<1x1xf32>
    %swap3A = arith.constant 0 : index
    %swap3A_32 = arith.constant 0 : index
    %swap3A_33 = vector.load %arg9[%swap3A, %swap3A_32] : memref<1x1xf32, #tpu.memory_space<vmem>>, vector<1x1xf32>
    tpu.vector_store %arg9[%swap3A, %swap3A_32], %add3A_31 {strides = array<i32>} : memref<1x1xf32, #tpu.memory_space<vmem>>, vector<1x1xf32>,
    %slice3A_34 = vector.extract_strided_slice %dot_general3A_10 {offsets = [0, 0], sizes = [26, 1], strides = [1, 1]} : vector<443x1xf32> to vector<26x1xf32>
    %swap3A_35 = arith.constant 0 : index
    %swap3A_36 = arith.constant 0 : index
    %swap3A_37 = vector.load %arg8[%swap3A_35, %swap3A_36] : memref<26x1xf32, #tpu.memory_space<vmem>>, vector<26x1xf32>
    tpu.vector_store %arg8[%swap3A_35, %swap3A_36], %slice3A_34 {strides = array<i32>} : memref<26x1xf32, #tpu.memory_space<vmem>>, vector<26x1xf32>,
    %slice3A_38 = vector.extract_strided_slice %dot_general3A_10 {offsets = [26, 0], sizes = [16, 1], strides = [1, 1]} : vector<443x1xf32> to vector<16x1xf32>
    %slice3A_39 = vector.extract_strided_slice %dot_general3A_10 {offsets = [42, 0], sizes = [16, 1], strides = [1, 1]} : vector<443x1xf32> to vector<16x1xf32>
    %slice3A_40 = vector.extract_strided_slice %dot_general3A_10 {offsets = [58, 0], sizes = [16, 1], strides = [1, 1]} : vector<443x1xf32> to vector<16x1xf32>
    %slice3A_41 = vector.extract_strided_slice %dot_general3A_10 {offsets = [74, 0], sizes = [16, 1], strides = [1, 1]} : vector<443x1xf32> to vector<16x1xf32>
    %slice3A_42 = vector.extract_strided_slice %dot_general3A_10 {offsets = [90, 0], sizes = [16, 1], strides = [1, 1]} : vector<443x1xf32> to vector<16x1xf32>
    %slice3A_43 = vector.extract_strided_slice %dot_general3A_10 {offsets = [106, 0], sizes = [16, 1], strides = [1, 1]} : vector<443x1xf32> to vector<16x1xf32>
    %slice3A_44 = vector.extract_strided_slice %dot_general3A_10 {offsets = [122, 0], sizes = [16, 1], strides = [1, 1]} : vector<443x1xf32> to vector<16x1xf32>
    %slice3A_45 = vector.extract_strided_slice %dot_general3A_10 {offsets = [138, 0], sizes = [16, 1], strides = [1, 1]} : vector<443x1xf32> to vector<16x1xf32>
    %slice3A_46 = vector.extract_strided_slice %dot_general3A_10 {offsets = [154, 0], sizes = [16, 1], strides = [1, 1]} : vector<443x1xf32> to vector<16x1xf32>
    %slice3A_47 = vector.extract_strided_slice %dot_general3A_10 {offsets = [170, 0], sizes = [16, 1], strides = [1, 1]} : vector<443x1xf32> to vector<16x1xf32>
    %slice3A_48 = vector.extract_strided_slice %dot_general3A_10 {offsets = [186, 0], sizes = [16, 1], strides = [1, 1]} : vector<443x1xf32> to vector<16x1xf32>
    %slice3A_49 = vector.extract_strided_slice %dot_general3A_10 {offsets = [202, 0], sizes = [16, 1], strides = [1, 1]} : vector<443x1xf32> to vector<16x1xf32>
    %slice3A_50 = vector.extract_strided_slice %dot_general3A_10 {offsets = [218, 0], sizes = [16, 1], strides = [1, 1]} : vector<443x1xf32> to vector<16x1xf32>
    %slice3A_51 = vector.extract_strided_slice %dot_general3A_10 {offsets = [234, 0], sizes = [16, 1], strides = [1, 1]} : vector<443x1xf32> to vector<16x1xf32>
    %slice3A_52 = vector.extract_strided_slice %dot_general3A_10 {offsets = [250, 0], sizes = [16, 1], strides = [1, 1]} : vector<443x1xf32> to vector<16x1xf32>
    %slice3A_53 = vector.extract_strided_slice %dot_general3A_10 {offsets = [266, 0], sizes = [16, 1], strides = [1, 1]} : vector<443x1xf32> to vector<16x1xf32>
    %slice3A_54 = vector.extract_strided_slice %dot_general3A_10 {offsets = [282, 0], sizes = [16, 1], strides = [1, 1]} : vector<443x1xf32> to vector<16x1xf32>
    %slice3A_55 = vector.extract_strided_slice %dot_general3A_10 {offsets = [298, 0], sizes = [16, 1], strides = [1, 1]} : vector<443x1xf32> to vector<16x1xf32>
    %slice3A_56 = vector.extract_strided_slice %dot_general3A_10 {offsets = [314, 0], sizes = [16, 1], strides = [1, 1]} : vector<443x1xf32> to vector<16x1xf32>
    %slice3A_57 = vector.extract_strided_slice %dot_general3A_10 {offsets = [330, 0], sizes = [16, 1], strides = [1, 1]} : vector<443x1xf32> to vector<16x1xf32>
    %slice3A_58 = vector.extract_strided_slice %dot_general3A_10 {offsets = [346, 0], sizes = [16, 1], strides = [1, 1]} : vector<443x1xf32> to vector<16x1xf32>
    %slice3A_59 = vector.extract_strided_slice %dot_general3A_10 {offsets = [362, 0], sizes = [16, 1], strides = [1, 1]} : vector<443x1xf32> to vector<16x1xf32>
    %slice3A_60 = vector.extract_strided_slice %dot_general3A_10 {offsets = [378, 0], sizes = [16, 1], strides = [1, 1]} : vector<443x1xf32> to vector<16x1xf32>
    %slice3A_61 = vector.extract_strided_slice %dot_general3A_10 {offsets = [394, 0], sizes = [16, 1], strides = [1, 1]} : vector<443x1xf32> to vector<16x1xf32>
    %slice3A_62 = vector.extract_strided_slice %dot_general3A_10 {offsets = [410, 0], sizes = [16, 1], strides = [1, 1]} : vector<443x1xf32> to vector<16x1xf32>
    %slice3A_63 = vector.extract_strided_slice %dot_general3A_10 {offsets = [426, 0], sizes = [16, 1], strides = [1, 1]} : vector<443x1xf32> to vector<16x1xf32>
    %concatenate3A = tpu.concatenate %slice3A_38, %slice3A_39, %slice3A_40, %slice3A_41, %slice3A_42, %slice3A_43, %slice3A_44, %slice3A_45, %slice3A_46, %slice3A_47, %slice3A_48, %slice3A_49, %slice3A_50, %slice3A_51, %slice3A_52, %slice3A_53, %slice3A_54, %slice3A_55, %slice3A_56, %slice3A_57, %slice3A_58, %slice3A_59, %slice3A_60, %slice3A_61, %slice3A_62, %slice3A_63 in 1 : vector<16x1xf32>, vector<16x1xf32>, vector<16x1xf32>, vector<16x1xf32>, vector<16x1xf32>, vector<16x1xf32>, vector<16x1xf32>, vector<16x1xf32>, vector<16x1xf32>, vector<16x1xf32>, vector<16x1xf32>, vector<16x1xf32>, vector<16x1xf32>, vector<16x1xf32>, vector<16x1xf32>, vector<16x1xf32>, vector<16x1xf32>, vector<16x1xf32>, vector<16x1xf32>, vector<16x1xf32>, vector<16x1xf32>, vector<16x1xf32>, vector<16x1xf32>, vector<16x1xf32>, vector<16x1xf32>, vector<16x1xf32> -> vector<16x26xf32>
    %swap3A_64 = arith.constant 0 : index
    %swap3A_65 = arith.constant 0 : index
    %swap3A_66 = vector.load %arg7[%swap3A_64, %swap3A_65] : memref<16x26xf32, #tpu.memory_space<vmem>>, vector<16x26xf32>
    tpu.vector_store %arg7[%swap3A_64, %swap3A_65], %concatenate3A {strides = array<i32>} : memref<16x26xf32, #tpu.memory_space<vmem>>, vector<16x26xf32>,
    return
  }
}

</mosaic_0001>

<sc_bundles>
// kernel: kernel.5.cloned.1.call-start
scs
__scs_entry_jumppad:
0x0: {  	(pc) =	sbr.rel $0x88, $3  }
0x1: {  	(tag) =	ssettag $0x0;
	lr =	simm.s32 $0x1  }
0x2: {  	[smem:$0x3F97] =	sst lr;
	_ =	strace $0xD0000000  }
0x3: {  	_ = 	snop  }
0x4: {  	_ = 	snop  }
0x5: {  	_ = 	snop  }
0x6: {  	_ = 	snop  }
0x7: {  	_ = 	snop  }
__scs_overlays_trampoline_lowered:
0x8: {  	[smem:$0x3FA6] =	sst s0  }
0x9: {  	[smem:$0x3FA7] =	sst s1  }
0xa: {  	[smem:$0x3FA8] =	sst s2  }
0xb: {  	[smem:$0x3FA9] =	sst s3  }
0xc: {  	[smem:$0x3FAA] =	sst s4  }
0xd: {  	[smem:$0x3FAB] =	sst s5  }
0xe: {  	[smem:$0x3FAC] =	sst s6  }
0xf: {  	[smem:$0x3FAD] =	sst s7  }
0x10: {  	[smem:$0x3FAE] =	sst s8  }
0x11: {  	[smem:$0x3FAF] =	sst s9;
	s0 =	simm.s32 @!p0 $0x0  }
0x12: {  	s1 =	sld [smem:$0x3F95];
	s0 =	simm.s32 @p0 $0x1  }
0x13: {  	[smem:$0x3FB0] =	sst s0;
	s0 =	simm.s32 @!p1 $0x0  }
0x14: {  	s2 =	sld [smem:$0x3F94];
	s0 =	simm.s32 @p1 $0x1  }
0x15: {  	[smem:$0x3FB1] =	sst s0;
	s0 =	simm.s32 @!p2 $0x0  }
0x16: {  	s3 =	sld [smem:$0x3FDB];
	s0 =	simm.s32 @p2 $0x1  }
0x17: {  	s4 =	simm.s32 $0x1BF5;
	[smem:$0x3FB3] =	sst s0  }
0x18: {  	s0 =	sld [smem:$0x3F96];
	_ =	swait.ge [sflag:s4], $0x0  }
0x19: {  	s7 =	sld [smem:$0x3F97]  }
0x1a: {  	s8 =	sadd.s32 $0xFFFFE003, lr  }
0x1b: {  	s9 =	sadd.s32 $0xFFFFFEF7, lr;
	s5 =	simm.s32 $0xFFFFFFFF;
	p2 =	slt.u32 s8, $0xFFFFF086  }
0x1c: {  	p1 =	slt.u32 s9, $0xF7A;
	s5 =	simm.s32 @!p2 $0x0  }
0x1d: {  	s5 =	simm.s32 @p1 $0x1;
	p0 =	seq.s32 s7, s2  }
0x1e: {  	s7 =	smul.u32 @!p0 $0xF7A, s2;
	p2 =	seq.s32 @!p0 s5, $0x0  }
0x1f: {  	s9 =	smul.u32 $0xF7A, s1;
	s8 =	simm.s32 @!p0 $0x1BF5;
	p2 =	por !p2, p0  }
0x20: {  	[sflag:s8] =	ssyncset.s32 @!p0 $0xFFFFF086;
	s6 =	sadd.s32 @!p0 s3, s7;
	s7 =	simm.s32 @!p0 $0x108  }
0x21: {  	s3 =	sadd.s32 s3, s9;
	s6 =	sadd.s32 @!p0 $0x88, s6;
	s7 =	simm.s32 @p2 $0x1082  }
0x22: {  	[simem:s7], [sflag:s8] =	dma.local @!p0 [hbm:s6], $0xF7A  }
0x23: {  	s9 =	sor.u32 $0xD0000000, s2;
	s6 =	simm.s32 $0x108;
	_ =	swait.ge @!p0 [sflag:s8], $0x0  }
0x24: {  	s3 =	sadd.s32 $0x88, s3;
	s6 =	simm.s32 @!p1 $0x1082;
	[sflag:s4] =	ssyncset.s32 $0xFFFFF086  }
0x25: {  	[simem:s6], [sflag:s4] =	dma.local [hbm:s3], $0xF7A  }
0x26: {  	[smem:$0x3F97] =	sst s1;
	(tag) =	ssettag s2;
	_ =	strace s9  }
0x27: {  	s1 =	sld [smem:$0x3FA7]  }
0x28: {  	s2 =	sld [smem:$0x3FA8]  }
0x29: {  	s4 =	sld [smem:$0x3FAA]  }
0x2a: {  	p0 =	seq.s32 s5, $0x0;
	s5 =	sld [smem:$0x3FAB]  }
0x2b: {  	s6 =	sld [smem:$0x3FAC]  }
0x2c: {  	s7 =	sld [smem:$0x3FAD]  }
0x2d: {  	s3 =	simm.s32 $0x108;
	s8 =	sld [smem:$0x3FAE]  }
0x2e: {  	s3 =	simm.s32 @!p0 $0x1082;
	s9 =	sld [smem:$0x3FAF]  }
0x2f: {  	lr =	sadd.s32 s0, s3;
	s0 =	sld [smem:$0x3FA6]  }
0x30: {  	s3 =	sld [smem:$0x3FA9]  }
0x31: {  	[smem:$0x3FB2] =	sst s10  }
0x32: {  	s10 =	sld [smem:$0x3FB0];
	_ =	sdelay $0x3  }
0x33: {  	p0 =	seq.s32 s10, $0x1;
	s10 =	sld [smem:$0x3FB2];
	_ =	sdelay $0x3  }
0x34: {  	[smem:$0x3FB2] =	sst s10  }
0x35: {  	s10 =	sld [smem:$0x3FB1];
	_ =	sdelay $0x3  }
0x36: {  	p1 =	seq.s32 s10, $0x1;
	s10 =	sld [smem:$0x3FB2];
	_ =	sdelay $0x3  }
0x37: {  	[smem:$0x3FB2] =	sst s10  }
0x38: {  	s10 =	sld [smem:$0x3FB3]  }
0x39: {  	_ = 	snop;
	(pc) =	sbr.ind lr, $3  }
0x3a: {  	_ = 	snop  }
0x3b: {  	_ = 	snop  }
0x3c: {  	p2 =	seq.s32 s10, $0x1;
	s10 =	sld [smem:$0x3FB2]  }
0x3d: {  	_ =	shalt  }
0x3e: {  	_ =	shalt  }
0x3f: {  	_ =	shalt  }
0x40: {  	_ =	shalt  }
0x41: {  	_ =	shalt  }
0x42: {  	_ =	shalt  }
0x43: {  	_ =	shalt  }
0x44: {  	_ =	shalt  }
0x45: {  	_ =	shalt  }
0x46: {  	_ =	shalt  }
0x47: {  	_ =	shalt  }
0x48: {  	_ =	shalt  }
0x49: {  	_ =	shalt  }
0x4a: {  	_ =	shalt  }
0x4b: {  	_ =	shalt  }
0x4c: {  	_ =	shalt  }
0x4d: {  	_ =	shalt  }
0x4e: {  	_ =	shalt  }
0x4f: {  	_ =	shalt  }
0x50: {  	_ =	shalt  }
0x51: {  	_ =	shalt  }
0x52: {  	_ =	shalt  }
0x53: {  	_ =	shalt  }
0x54: {  	_ =	shalt  }
0x55: {  	_ =	shalt  }
0x56: {  	_ =	shalt  }
0x57: {  	_ =	shalt  }
0x58: {  	_ =	shalt  }
0x59: {  	_ =	shalt  }
0x5a: {  	_ =	shalt  }
0x5b: {  	_ =	shalt  }
0x5c: {  	_ =	shalt  }
0x5d: {  	_ =	shalt  }
0x5e: {  	_ =	shalt  }
0x5f: {  	_ =	shalt  }
0x60: {  	_ =	shalt  }
0x61: {  	_ =	shalt  }
0x62: {  	_ =	shalt  }
0x63: {  	_ =	shalt  }
0x64: {  	_ =	shalt  }
0x65: {  	_ =	shalt  }
0x66: {  	_ =	shalt  }
0x67: {  	_ =	shalt  }
0x68: {  	_ =	shalt  }
0x69: {  	_ =	shalt  }
0x6a: {  	_ =	shalt  }
0x6b: {  	_ =	shalt  }
0x6c: {  	_ =	shalt  }
0x6d: {  	_ =	shalt  }
0x6e: {  	_ =	shalt  }
0x6f: {  	_ =	shalt  }
0x70: {  	_ =	shalt  }
0x71: {  	_ =	shalt  }
0x72: {  	_ =	shalt  }
0x73: {  	_ =	shalt  }
0x74: {  	_ =	shalt  }
0x75: {  	_ =	shalt  }
0x76: {  	_ =	shalt  }
0x77: {  	_ =	shalt  }
0x78: {  	_ =	shalt  }
0x79: {  	_ =	shalt  }
0x7a: {  	_ =	shalt  }
0x7b: {  	_ =	shalt  }
0x7c: {  	_ =	shalt  }
0x7d: {  	_ =	shalt  }
0x7e: {  	_ =	shalt  }
0x7f: {  	_ =	shalt  }
0x80: {  	_ =	shalt  }
0x81: {  	_ =	shalt  }
0x82: {  	_ =	shalt  }
0x83: {  	_ =	shalt  }
0x84: {  	_ =	shalt  }
0x85: {  	_ =	shalt  }
0x86: {  	_ =	shalt  }
0x87: {  	_ =	shalt  }
.Lfunc_end0:
.L_simem_size_0:
called_computation_lowered:
.L_overlay_start_0:
0x88: {  	s2 =	sld [smem:$0x3FD9]  }
0x89: {  	s3 =	sld [smem:$0x3FFE];
	_ =	sdelay $0x1  }
0x8a: {  	s1 =	srdreg.scid  }
0x8b: {  	s0 =	sand.u32 $0x1, s1  }
0x8c: {  	s17 =	sshll.u32 s0, $0xA;
	s2 =	sadd.s32 s3, s2  }
0x8d: {  	s2 =	sadd.s32 s2, s17  }
0x8e: {  	[smem:$0x3FBE] =	sst s2  }
0x8f: {  	_ = 	snop  }
0x90: {  	s2 =	sld [smem:$0x3FC9]  }
0x91: {  	s18 =	sld [smem:$0x3FD0];
	(tm) =	ssettm $0x1  }
0x92: {  	s4 =	sld [smem:$0x3FFB];
	_ =	sdelay $0x3  }
0x93: {  	_ =	strace s4  }
0x94: {  	s4 =	sld [smem:$0x3FFC];
	_ =	sdelay $0x3  }
0x95: {  	_ =	strace s4  }
0x96: {  	s4 =	sld [smem:$0x3FFD];
	_ =	sdelay $0x3  }
0x97: {  	_ =	strace s4  }
0x98: {  	_ =	strace $0x8FFFFFFF  }
0x99: {  	s19 =	sld [smem:$0x3FDB];
	_ =	sdelay $0x1  }
0x9a: {  	s5 =	simm.s32 $_scs_section_size  }
0x9b: {  	s6 =	simm.s32 $_size__tile_overlayer_lowered;
	s7 =	simm.s32 $_tile_overlayer_lowered  }
0x9c: {  	s22 =	simm.s32 $0x1BFF;
	s21 =	sshll.u32 s7, $0x1;
	s4 =	sadd.s32 s5, s19  }
0x9d: {  	s8 =	simm.s32 $0x0;
	s20 =	sshll.u32 s6, $0x1;
	s6 =	sadd.s32 s21, s4  }
0x9e: {  	[timem:s8], [sflag:s22] =	dma.local [hbm:s6], s20  }
0x9f: {  	_ =	swait.ge [sflag:s22], s20  }
0xa0: {  	s5 =	ssub.s32 $0x0, s20;
	[sflag:s22] =	ssyncset.done $0x0  }
0xa1: {  	[sflag:s22] =	ssyncadd.s32 s5;
	_ =	sdelay $0x1  }
0xa2: {  	s23 =	simm.s32 $0x1B8B  }
0xa3: {  	_ =	swait.ge [sflag:s23], $0x1  }
0xa4: {  	[sflag:s23] =	ssyncset.done $0x0  }
0xa5: {  	s25 =	simm.s32 $0x1B8E;
	s24 =	sld [smem:$0x3FFE];
	[sflag:s23] =	ssyncadd.s32 $0xFFFFFFFF  }
0xa6: {  	s26 =	simm.s32 $execute0_lowered;
	[smem:$0x3FD2] =	sst s25  }
0xa7: {  	s6 =	sshll.u32 s26, $0x1;
	_ =	strace $0x80000046;
	[dreg:$0x1] =	wrdreg $0xFFFFFFFF  }
0xa8: {  	s28 =	simm.s32 $_size_execute0_lowered;
	s4 =	sadd.s32 s4, s6;
	[dreg:$0x0] =	wrdreg $0x0  }
0xa9: {  	s6 =	sshll.u32 s28, $0x1;
	[dreg:$0x2] =	wrdreg s4  }
0xaa: {  	[dreg:$0x3] =	wrdreg s6  }
0xab: {  	[dreg:$0x4] =	wrdreg $0xC0  }
0xac: {  	_ =	task [dreg:s8], $0x5FFFF  }
0xad: {  	[dreg:$0x1] =	wrdreg $0xFFFFFFFF  }
0xae: {  	[dreg:$0x0] =	wrdreg $0x60  }
0xaf: {  	[dreg:$0x2] =	wrdreg s24  }
0xb0: {  	[dreg:$0x3] =	wrdreg s2  }
0xb1: {  	[dreg:$0x4] =	wrdreg s18  }
0xb2: {  	[dreg:$0x5] =	wrdreg $0x9  }
0xb3: {  	_ =	task.clear_ibuf [dreg:s8], $0x6FFFF;
	_ =	strace $0x90000046  }
0xb4: {  	s29 =	simm.s32 $0x9;
	_ =	strace $0x80000048  }
0xb5: {  	_ =	swait.ge [sflag:s29], $0x1  }
0xb6: {  	[sflag:s29] =	ssyncadd.s32 $0xFFFFFFFF  }
0xb7: {  	_ =	strace $0x90000048  }
0xb8: {  	_ =	sfence  }
0xb9: {  	s30 =	sld [smem:$0x0];
	_ =	sdelay $0x2  }
0xba: {  	s31 =	sshll.u32 s1, $0xD;
	s1 =	sshrl.u32 s1, $0x2  }
0xbb: {  	s3 =	sand.u32 $0x4000, s31;
	s1 =	sadd.s32 s1, s30  }
0xbc: {  	s0 =	sor.u32 s3, s0;
	s1 =	sshll.u32 s1, $0x11  }
0xbd: {  	s0 =	sor.u32 s1, s0  }
0xbe: {  	s0 =	sadd.s32 $0x8F2B, s0  }
0xbf: {  	[sflag:s0] =	ssyncadd.remote.s32 $0x1  }
0xc0: {  	_ =	sfence.sel $0xFFFF  }
0xc1: {  	[dreg:$0x0] =	wrdreg $0xFFFFFFFF;
	(pc) =	sbr.abs _section_cstart, $3  }
0xc2: {  	[dreg:$0x1] =	wrdreg $0xFFFFFFFF  }
0xc3: {  	_ =	task.clear_ibuf [dreg:s8], $0x2FFFF;
	_ =	strace $0x9FFFFFFF  }
0xc4: {  	(tm) =	ssettm $0x7FFFFFFF  }
0xc5: {  	_ =	shalt  }
tec
execute0_lowered:
.L_overlay_start_1:
0x0: {  	(tag) =	ssettag $0x1  }
0x1: {  	s5 =	rddreg [dreg:$0x0]  }
0x2: {  	s3 =	rddreg [dreg:$0x1]  }
0x3: {  	s8 =	rddreg [dreg:$0x2];
	s2 =	srdreg.scid  }
0x4: {  	s0 =	rddreg [dreg:$0x3];
	s1 =	stileid.u32;
	s6 =	sand.u32 $0x1, s2  }
0x5: {  	s2 =	simm.s32 $0x0;
	s4 =	sshll.u32 s1, $0x7;
	s7 =	sshll.u32 s6, $0x6  }
0x6: {  	[smem:$0x7FF] =	sst s2;
	s10 =	ssub.s32 $0x2, s6;
	s9 =	sor.u32 s7, s4  }
0x7: {  	_ =	strace $0x80000047;
	s4 =	sadd.s32 s3, s9;
	s3 =	simm.s32 $0x2  }
0x8: {  	[tilespmem:s2], [sflag:$0x2] =	stream.linear.gather [hbm4b:s4+s2], $0x200, $0x38;
	[tilespmem:$0x400] =	vst v63  }
0x9: {  	s5 =	sadd.s32 $0x1200, s5;
	s11 =	sshrl.u32 s10, $0x1;
	_ =	swait.ge [sflag:s3], $0x200  }
0xa: {  	s6 =	simm.s32 $0x200;
	s10 =	ssub.s32 s10, s11;
	[sflag:s3] =	ssyncset.done $0x0  }
0xb: {  	s7 =	simm.s32 $0x1;
	s31 =	smax.u32 s10, $0x1;
	[sflag:s3] =	ssyncadd.s32 $0xFFFFFE00  }
0xc: {  	[tilespmem:s6], [sflag:$0x1] =	stream.indirect.gather [hbm4b:s5+s6], $0x1, s2, s6, $0xb8;
	[tilespmem:$0x400] =	vst v63  }
0xd: {  	p0 =	sne.s32 s31, $0x1;
	_ =	swait.ge [sflag:s7], $0x200  }
.Ltmp0:
0xe: {  	[sflag:s7] =	ssyncset.done $0x0;
	(pc) =	sbr.rel @!p0 .LBB2_2-.Ltmp0, $4  }
0xf: {  	s8 =	sadd.s32 s8, s9;
	[sflag:s7] =	ssyncadd.s32 $0xFFFFFE00  }
0x10: {  	[hbm4b:s8+s2] =	stream.linear.scatter [tilespmem:s6], [sflag:$0x2], $0x200, $0x38;
	[tilespmem:$0x400] =	vst v63  }
0x11: {  	_ =	swait.ge [sflag:s3], $0x200  }
0x12: {  	s9 =	sadd.s32 $0xFFFFFFFF, s31;
	[sflag:s3] =	ssyncset.done $0x0  }
.LBB2_1:
0x13: {  	p0 =	sne.s32 s9, $0x1;
	s9 =	sadd.s32 $0xFFFFFFFF, s9;
	[sflag:s3] =	ssyncadd.s32 $0xFFFFFE00  }
0x14: {  	[tilespmem:s2], [sflag:$0x2] =	stream.linear.gather [hbm4b:s4+s2], $0x200, $0x38;
	[tilespmem:$0x400] =	vst v63  }
0x15: {  	_ =	swait.ge [sflag:s3], $0x200  }
0x16: {  	[sflag:s3] =	ssyncset.done $0x0  }
0x17: {  	[sflag:s3] =	ssyncadd.s32 $0xFFFFFE00  }
0x18: {  	[tilespmem:s6], [sflag:$0x1] =	stream.indirect.gather [hbm4b:s5+s6], $0x1, s2, s6, $0xb8;
	[tilespmem:$0x400] =	vst v63  }
0x19: {  	_ =	swait.ge [sflag:s7], $0x200  }
.Ltmp1:
0x1a: {  	[sflag:s7] =	ssyncset.done $0x0;
	(pc) =	sbr.rel @p0 .LBB2_1-.Ltmp1, $4  }
0x1b: {  	[sflag:s7] =	ssyncadd.s32 $0xFFFFFE00  }
0x1c: {  	[hbm4b:s8+s2] =	stream.linear.scatter [tilespmem:s6], [sflag:$0x2], $0x200, $0x38;
	[tilespmem:$0x400] =	vst v63  }
0x1d: {  	_ =	swait.ge [sflag:s3], $0x200  }
0x1e: {  	[sflag:s3] =	ssyncset.done $0x0  }
.LBB2_2:
0x1f: {  	[sflag:s3] =	ssyncadd.s32 $0xFFFFFE00  }
0x20: {  	_ =	sfence.sel $0x180000  }
0x21: {  	[bflag:$0x0] =	sbarrier.arrive $0xFFFF  }
0x22: {  	p0 =	sne.s32 s1, $0x0;
	_ =	strace $0x90000047  }
0x23: {  	s0 =	sadd.s32 @!p0 $0x100000, s0;
	[bflag:$0x2] =	sbarrier.arrive $0xFFFF  }
0x24: {  	[sflag:s0] =	ssyncadd.tile.s32 @!p0 $0x1;
	_ =	shalt  }
.Lfunc_end2:
_tile_overlayer_lowered:
.L_overlay_start_2:
0x25: {  	(tag) =	ssettag $0x2  }
0x26: {  	s0 =	rddreg [dreg:$0x0];
	s2 =	stileid.u32  }
0x27: {  	s1 =	rddreg [dreg:$0x1];
	p0 =	sne.s32 s2, $0x0  }
0x28: {  	s3 =	rddreg [dreg:$0x2];
	[bflag:$0x3] =	sbarrier.arrive $0xFFFF;
	s2 =	simm.s32 @!p0 $0x1C02  }
0x29: {  	[timem:s3], [sflag:s2] =	dma.local @!p0 [hbm:s0], s1  }
0x2a: {  	s0 =	simm.s32 @!p0 $0x2  }
0x2b: {  	_ =	swait.ge @!p0 [sflag:s0], s1  }
0x2c: {  	s1 =	ssub.s32 @!p0 $0x0, s1;
	[sflag:s0] =	ssyncset.done @!p0 $0x0  }
0x2d: {  	[sflag:s0] =	ssyncadd.s32 @!p0 s1  }
0x2e: {  	[bflag:$0x3] =	sbarrier.arrive $0xFFFF  }
0x2f: {  	_ =	shalt  }

</sc_bundles>
